<compile_context>
chip_gen: v7x
topology: tpu7x:2x2x1
jax: 0.10.2.dev20260603
libtpu: 0.0.44.dev20260713+nightly
codegen_flags: <defaults>
</compile_context>

<pallas_src>
import functools

import jax
import jax.numpy as jnp
from jax import lax
from jax.experimental import pallas as pl
from jax.experimental.pallas import tpu as pltpu
from jax.experimental.pallas import tpu_sc as plsc

D_MODEL = 128
SCALE = float(D_MODEL) ** 0.5

NC = 2
NS = 16
NW = NC * NS
G = 64
NBUF = 10
PF = 2


@functools.lru_cache(maxsize=None)
def _emb_kernel(B: int):
    n_per_w = B // NW
    n_groups = n_per_w // G
    assert n_groups % NBUF == 0

    mesh = plsc.VectorSubcoreMesh(core_axis_name="c", subcore_axis_name="s")

    @functools.partial(
        pl.kernel,
        mesh=mesh,
        out_type=jax.ShapeDtypeStruct((B, D_MODEL), jnp.float32),
        scratch_types=[
            pltpu.VMEM((n_groups, G), jnp.int32),
            *[pltpu.VMEM((G, D_MODEL), jnp.float32) for _ in range(NBUF)],
            *[pltpu.SemaphoreType.DMA for _ in range(2 * NBUF)],
        ],
    )
    def k(x_hbm, table_hbm, out_hbm, idx_v, *bufs_and_sems):
        rows = bufs_and_sems[0:NBUF]
        gsem = bufs_and_sems[NBUF:2 * NBUF]
        osem = bufs_and_sems[2 * NBUF:3 * NBUF]

        wid = lax.axis_index("s") * NC + lax.axis_index("c")
        base = wid * n_per_w
        pltpu.sync_copy(x_hbm.at[wid], idx_v)

        for g in range(PF):
            pltpu.async_copy(table_hbm.at[idx_v.at[g]], rows[g], gsem[g])

        def step(i, carry):
            for b0 in range(NBUF):
                gg = i * NBUF + b0
                b = b0
                bp = (b0 + PF) % NBUF

                pltpu.make_async_copy(table_hbm.at[pl.ds(0, G)],
                                      rows[b], gsem[b]).wait()

                @pl.when(gg + PF < n_groups)
                def _():
                    @pl.when(gg + PF >= NBUF)
                    def _():
                        pltpu.make_async_copy(
                            rows[bp],
                            out_hbm.at[pl.ds(base + (gg + PF - NBUF) * G, G)],
                            osem[bp]).wait()

                    pltpu.async_copy(table_hbm.at[idx_v.at[gg + PF]],
                                     rows[bp], gsem[bp])

                def row(r, c):
                    for j in range(D_MODEL // 16):
                        sl = pl.ds(j * 16, 16)
                        rows[b][r, sl] = rows[b][r, sl] * SCALE
                    return c

                lax.fori_loop(0, G, row, 0)

                pltpu.async_copy(rows[b],
                                 out_hbm.at[pl.ds(base + gg * G, G)],
                                 osem[b])
            return carry

        lax.fori_loop(0, n_groups // NBUF, step, 0)

        for b in range(NBUF):
            gg = n_groups - NBUF + b
            pltpu.make_async_copy(rows[b],
                                  out_hbm.at[pl.ds(base + gg * G, G)],
                                  osem[b]).wait()

    return k


def kernel(x, table):
    s0, s1 = x.shape
    B = s0 * s1
    xi = x.reshape(NW, B // (NW * G), G).astype(jnp.int32)
    out = _emb_kernel(B)(xi, table)
    return out.reshape(s0, s1, D_MODEL)

# --- scband reference (transcript-rebuilt; emitter-appended) ---
"""Pipeline reference for scband-input-embedding-5686536700411 (READ-ONLY COPY).

The authoritative reference and input builder live on the scoring server;
editing this copy changes nothing except your own understanding.
"""

import jax, jax.numpy as jnp
import numpy as np

VOCAB_SIZE = 100000
D_MODEL = 128

def setup_inputs(seed: int = 0) -> dict:
    key = jax.random.key(seed)
    k1, k2 = jax.random.split(key)
    x = jax.random.randint(k1, (1024, 200), 0, VOCAB_SIZE, dtype=jnp.int64 if jax.config.jax_enable_x64 else jnp.int32)
    table = jax.random.normal(k2, (VOCAB_SIZE, D_MODEL), dtype=jnp.float32)
    return {"x": x, "table": table}

def reference(x, table):
    # InputEmbedding.forward: embedding lookup scaled by sqrt(d_model)
    emb = jnp.take(table, x, axis=0)
    return emb * (D_MODEL ** 0.5)

if __name__ == "__main__":
    import jax
    _d = setup_inputs()
    print(jax.jit(kernel)(*tuple(_d.values())))

</pallas_src>

<mosaic_0001>
#map = affine_map<(d0, d1) -> (0, 0, 0)>
#map1 = affine_map<(d0, d1) -> (0, 0)>
module attributes {stable_mosaic.version = 14 : i64} {
  func.func @k(%arg0: i32, %arg1: i32, %arg2: memref<32x100x64xi32, #tpu.memory_space<hbm>>, %arg3: memref<100000x128xf32, #tpu.memory_space<hbm>>, %arg4: memref<204800x128xf32, #tpu.memory_space<hbm>>, %arg5: memref<100x64xi32, #tpu.memory_space<vmem>>, %arg6: memref<64x128xf32, #tpu.memory_space<vmem>>, %arg7: memref<64x128xf32, #tpu.memory_space<vmem>>, %arg8: memref<64x128xf32, #tpu.memory_space<vmem>>, %arg9: memref<64x128xf32, #tpu.memory_space<vmem>>, %arg10: memref<64x128xf32, #tpu.memory_space<vmem>>, %arg11: memref<64x128xf32, #tpu.memory_space<vmem>>, %arg12: memref<64x128xf32, #tpu.memory_space<vmem>>, %arg13: memref<64x128xf32, #tpu.memory_space<vmem>>, %arg14: memref<64x128xf32, #tpu.memory_space<vmem>>, %arg15: memref<64x128xf32, #tpu.memory_space<vmem>>, %arg16: memref<!tpu.dma_semaphore, #tpu.memory_space<semaphore_mem>>, %arg17: memref<!tpu.dma_semaphore, #tpu.memory_space<semaphore_mem>>, %arg18: memref<!tpu.dma_semaphore, #tpu.memory_space<semaphore_mem>>, %arg19: memref<!tpu.dma_semaphore, #tpu.memory_space<semaphore_mem>>, %arg20: memref<!tpu.dma_semaphore, #tpu.memory_space<semaphore_mem>>, %arg21: memref<!tpu.dma_semaphore, #tpu.memory_space<semaphore_mem>>, %arg22: memref<!tpu.dma_semaphore, #tpu.memory_space<semaphore_mem>>, %arg23: memref<!tpu.dma_semaphore, #tpu.memory_space<semaphore_mem>>, %arg24: memref<!tpu.dma_semaphore, #tpu.memory_space<semaphore_mem>>, %arg25: memref<!tpu.dma_semaphore, #tpu.memory_space<semaphore_mem>>, %arg26: memref<!tpu.dma_semaphore, #tpu.memory_space<semaphore_mem>>, %arg27: memref<!tpu.dma_semaphore, #tpu.memory_space<semaphore_mem>>, %arg28: memref<!tpu.dma_semaphore, #tpu.memory_space<semaphore_mem>>, %arg29: memref<!tpu.dma_semaphore, #tpu.memory_space<semaphore_mem>>, %arg30: memref<!tpu.dma_semaphore, #tpu.memory_space<semaphore_mem>>, %arg31: memref<!tpu.dma_semaphore, #tpu.memory_space<semaphore_mem>>, %arg32: memref<!tpu.dma_semaphore, #tpu.memory_space<semaphore_mem>>, %arg33: memref<!tpu.dma_semaphore, #tpu.memory_space<semaphore_mem>>, %arg34: memref<!tpu.dma_semaphore, #tpu.memory_space<semaphore_mem>>, %arg35: memref<!tpu.dma_semaphore, #tpu.memory_space<semaphore_mem>>) attributes {dimension_semantics = [#tpu.dimension_semantics<core_parallel>, #tpu.dimension_semantics<subcore_parallel>], iteration_bounds = array<i64: 2, 16>, scalar_prefetch = 0 : i64, scratch_operands = 31 : i64, tpu.core_type = #tpu.core_type<sc_vector_subcore>, window_params = [{transform_indices = #map}, {transform_indices = #map1}, {transform_indices = #map1}]} {
    %mul3A = arith.constant 2 : i32
    %mul3A_0 = arith.muli %arg1, %mul3A : i32
    %add3A = arith.addi %mul3A_0, %arg0 : i32
    %mul3A_1 = arith.constant 6400 : i32
    %mul3A_2 = arith.muli %add3A, %mul3A_1 : i32
    "tpu.region"() ({
      %run_scoped3A = tpu.sem_alloc : memref<!tpu.dma_semaphore, #tpu.memory_space<semaphore_mem>>
      %dma_start3A_80 = arith.constant 0 : i32
      %dma_start3A_81 = arith.constant 0 : i32
      %dma_start3A_82 = tpu.memref_slice %arg2[%add3A, %dma_start3A_80, %dma_start3A_81] : memref<32x100x64xi32, #tpu.memory_space<hbm>> -> memref<1x100x64xi32, #tpu.memory_space<hbm>>
      %dma_start3A_83 = tpu.memref_squeeze %dma_start3A_82 : memref<1x100x64xi32, #tpu.memory_space<hbm>> -> memref<100x64xi32, #tpu.memory_space<hbm>>
      %dma_start3A_84 = arith.constant 0 : i32
      %dma_start3A_85 = arith.constant 0 : i32
      %dma_start3A_86 = tpu.memref_slice %arg2[%add3A, %dma_start3A_84, %dma_start3A_85] : memref<32x100x64xi32, #tpu.memory_space<hbm>> -> memref<1x100x64xi32, #tpu.memory_space<hbm>>
      %dma_start3A_87 = tpu.memref_squeeze %dma_start3A_86 : memref<1x100x64xi32, #tpu.memory_space<hbm>> -> memref<100x64xi32, #tpu.memory_space<hbm>>
      tpu.enqueue_dma source(%dma_start3A_87 : memref<100x64xi32, #tpu.memory_space<hbm>>) target(%arg5 : memref<100x64xi32, #tpu.memory_space<vmem>>) target_semaphore(%run_scoped3A : memref<!tpu.dma_semaphore, #tpu.memory_space<semaphore_mem>>)
      %dma_wait3A_88 = arith.constant 0 : i32
      %dma_wait3A_89 = arith.constant 0 : i32
      %dma_wait3A_90 = tpu.memref_slice %arg2[%add3A, %dma_wait3A_88, %dma_wait3A_89] : memref<32x100x64xi32, #tpu.memory_space<hbm>> -> memref<1x100x64xi32, #tpu.memory_space<hbm>>
      %dma_wait3A_91 = tpu.memref_squeeze %dma_wait3A_90 : memref<1x100x64xi32, #tpu.memory_space<hbm>> -> memref<100x64xi32, #tpu.memory_space<hbm>>
      %dma_wait3A_92 = arith.constant 0 : i32
      %dma_wait3A_93 = arith.constant 0 : i32
      %dma_wait3A_94 = tpu.memref_slice %arg2[%add3A, %dma_wait3A_92, %dma_wait3A_93] : memref<32x100x64xi32, #tpu.memory_space<hbm>> -> memref<1x100x64xi32, #tpu.memory_space<hbm>>
      %dma_wait3A_95 = tpu.memref_squeeze %dma_wait3A_94 : memref<1x100x64xi32, #tpu.memory_space<hbm>> -> memref<100x64xi32, #tpu.memory_space<hbm>>
      tpu.wait_dma2 semaphore(%run_scoped3A : memref<!tpu.dma_semaphore, #tpu.memory_space<semaphore_mem>>) src(%dma_wait3A_95 : memref<100x64xi32, #tpu.memory_space<hbm>>) dst(%arg5 : memref<100x64xi32, #tpu.memory_space<vmem>>)
      tpu.yield
    }) : () -> ()
    %dma_start3A = arith.constant 0 : i32
    %dma_start3A_3 = arith.constant 0 : i32
    %dma_start3A_4 = tpu.memref_slice %arg5[%dma_start3A, %dma_start3A_3] : memref<100x64xi32, #tpu.memory_space<vmem>> -> memref<1x64xi32, #tpu.memory_space<vmem>>
    %dma_start3A_5 = tpu.memref_squeeze %dma_start3A_4 : memref<1x64xi32, #tpu.memory_space<vmem>> -> memref<64xi32, #tpu.memory_space<vmem>>
    %dma_start3A_6 = arith.constant 0 : i32
    %dma_start3A_7 = arith.constant 0 : i32
    %dma_start3A_8 = tpu.memref_slice %arg3[%dma_start3A_6, %dma_start3A_7] : memref<100000x128xf32, #tpu.memory_space<hbm>> -> memref<100000x128xf32, #tpu.memory_space<hbm>>
    tpu.enqueue_indirect_dma source(%dma_start3A_8 : memref<100000x128xf32, #tpu.memory_space<hbm>>) target(%arg6 : memref<64x128xf32, #tpu.memory_space<vmem>>) offsets(%dma_start3A_5 : memref<64xi32, #tpu.memory_space<vmem>>) semaphore(%arg16 : memref<!tpu.dma_semaphore, #tpu.memory_space<semaphore_mem>>)
    %dma_start3A_9 = arith.constant 1 : i32
    %dma_start3A_10 = arith.constant 0 : i32
    %dma_start3A_11 = tpu.memref_slice %arg5[%dma_start3A_9, %dma_start3A_10] : memref<100x64xi32, #tpu.memory_space<vmem>> -> memref<1x64xi32, #tpu.memory_space<vmem>>
    %dma_start3A_12 = tpu.memref_squeeze %dma_start3A_11 : memref<1x64xi32, #tpu.memory_space<vmem>> -> memref<64xi32, #tpu.memory_space<vmem>>
    %dma_start3A_13 = arith.constant 0 : i32
    %dma_start3A_14 = arith.constant 0 : i32
    %dma_start3A_15 = tpu.memref_slice %arg3[%dma_start3A_13, %dma_start3A_14] : memref<100000x128xf32, #tpu.memory_space<hbm>> -> memref<100000x128xf32, #tpu.memory_space<hbm>>
    tpu.enqueue_indirect_dma source(%dma_start3A_15 : memref<100000x128xf32, #tpu.memory_space<hbm>>) target(%arg7 : memref<64x128xf32, #tpu.memory_space<vmem>>) offsets(%dma_start3A_12 : memref<64xi32, #tpu.memory_space<vmem>>) semaphore(%arg17 : memref<!tpu.dma_semaphore, #tpu.memory_space<semaphore_mem>>)
    %scan3A = arith.constant 0 : i32
    %scan3A_16 = arith.constant 0 : i32
    %scan3A_17 = arith.constant 10 : i32
    %scan3A_18 = arith.addi %scan3A_16, %scan3A_17 : i32
    %scan3A_19 = arith.constant 1 : i32
    scf.for %scan3A_80 = %scan3A_16 to %scan3A_18 step %scan3A_19  : i32 {
      %mul3A_81 = arith.constant 10 : i32
      %mul3A_82 = arith.muli %scan3A_80, %mul3A_81 : i32
      %add3A_83 = arith.constant 0 : i32
      %add3A_84 = arith.addi %mul3A_82, %add3A_83 : i32
      %dma_wait3A_85 = arith.constant 0 : i32
      %dma_wait3A_86 = arith.constant 0 : i32
      %dma_wait3A_87 = tpu.memref_slice %arg3[%dma_wait3A_85, %dma_wait3A_86] : memref<100000x128xf32, #tpu.memory_space<hbm>> -> memref<64x128xf32, #tpu.memory_space<hbm>>
      %dma_wait3A_88 = arith.constant 0 : i32
      %dma_wait3A_89 = arith.constant 0 : i32
      %dma_wait3A_90 = tpu.memref_slice %arg3[%dma_wait3A_88, %dma_wait3A_89] : memref<100000x128xf32, #tpu.memory_space<hbm>> -> memref<64x128xf32, #tpu.memory_space<hbm>>
      tpu.wait_dma2 semaphore(%arg16 : memref<!tpu.dma_semaphore, #tpu.memory_space<semaphore_mem>>) src(%dma_wait3A_90 : memref<64x128xf32, #tpu.memory_space<hbm>>) dst(%arg6 : memref<64x128xf32, #tpu.memory_space<vmem>>)
      %add3A_91 = arith.constant 2 : i32
      %add3A_92 = arith.addi %add3A_84, %add3A_91 : i32
      %lt3A = arith.constant 100 : i32
      %lt3A_93 = arith.cmpi slt, %add3A_92, %lt3A : i32
      %convert_element_type3A = arith.extui %lt3A_93 : i1 to i32
      %cond3A = arith.constant 0 : i32
      %cond3A_94 = arith.cmpi ne, %convert_element_type3A, %cond3A : i32
      scf.if %cond3A_94 {
        %add3A_378 = arith.constant 2 : i32
        %add3A_379 = arith.addi %add3A_84, %add3A_378 : i32
        %ge3A = arith.constant 10 : i32
        %ge3A_380 = arith.cmpi sge, %add3A_379, %ge3A : i32
        %convert_element_type3A_381 = arith.extui %ge3A_380 : i1 to i32
        %cond3A_382 = arith.constant 0 : i32
        %cond3A_383 = arith.cmpi ne, %convert_element_type3A_381, %cond3A_382 : i32
        scf.if %cond3A_383 {
          %add3A_392 = arith.constant 2 : i32
          %add3A_393 = arith.addi %add3A_84, %add3A_392 : i32
          %sub3A = arith.constant 10 : i32
          %sub3A_394 = arith.subi %add3A_393, %sub3A : i32
          %mul3A_395 = arith.constant 64 : i32
          %mul3A_396 = arith.muli %sub3A_394, %mul3A_395 : i32
          %add3A_397 = arith.addi %mul3A_2, %mul3A_396 : i32
          %dma_wait3A_398 = arith.constant 0 : i32
          %dma_wait3A_399 = tpu.memref_slice %arg4[%add3A_397, %dma_wait3A_398] : memref<204800x128xf32, #tpu.memory_space<hbm>> -> memref<64x128xf32, #tpu.memory_space<hbm>>
          %dma_wait3A_400 = arith.constant 0 : i32
          %dma_wait3A_401 = tpu.memref_slice %arg4[%add3A_397, %dma_wait3A_400] : memref<204800x128xf32, #tpu.memory_space<hbm>> -> memref<64x128xf32, #tpu.memory_space<hbm>>
          tpu.wait_dma2 semaphore(%arg28 : memref<!tpu.dma_semaphore, #tpu.memory_space<semaphore_mem>>) src(%arg8 : memref<64x128xf32, #tpu.memory_space<vmem>>) dst(%dma_wait3A_401 : memref<64x128xf32, #tpu.memory_space<hbm>>)
        } else {
        }
        %add3A_384 = arith.constant 2 : i32
        %add3A_385 = arith.addi %add3A_84, %add3A_384 : i32
        %dma_start3A_386 = arith.constant 0 : i32
        %dma_start3A_387 = tpu.memref_slice %arg5[%add3A_385, %dma_start3A_386] : memref<100x64xi32, #tpu.memory_space<vmem>> -> memref<1x64xi32, #tpu.memory_space<vmem>>
        %dma_start3A_388 = tpu.memref_squeeze %dma_start3A_387 : memref<1x64xi32, #tpu.memory_space<vmem>> -> memref<64xi32, #tpu.memory_space<vmem>>
        %dma_start3A_389 = arith.constant 0 : i32
        %dma_start3A_390 = arith.constant 0 : i32
        %dma_start3A_391 = tpu.memref_slice %arg3[%dma_start3A_389, %dma_start3A_390] : memref<100000x128xf32, #tpu.memory_space<hbm>> -> memref<100000x128xf32, #tpu.memory_space<hbm>>
        tpu.enqueue_indirect_dma source(%dma_start3A_391 : memref<100000x128xf32, #tpu.memory_space<hbm>>) target(%arg8 : memref<64x128xf32, #tpu.memory_space<vmem>>) offsets(%dma_start3A_388 : memref<64xi32, #tpu.memory_space<vmem>>) semaphore(%arg18 : memref<!tpu.dma_semaphore, #tpu.memory_space<semaphore_mem>>)
      } else {
      }
      %scan3A_95 = arith.constant 0 : i32
      %scan3A_96 = arith.constant 0 : i32
      %scan3A_97 = arith.constant 64 : i32
      %scan3A_98 = arith.addi %scan3A_96, %scan3A_97 : i32
      %scan3A_99 = arith.constant 1 : i32
      scf.for %scan3A_378 = %scan3A_96 to %scan3A_98 step %scan3A_99  : i32 {
        %get3A = arith.index_cast %scan3A_378 : i32 to index
        %get3A_379 = arith.constant 0 : index
        %get3A_380 = tpu.vector_load %arg6[%get3A, %get3A_379] {strides = array<i32>} : memref<64x128xf32, #tpu.memory_space<vmem>>, vector<1x16xf32>,
        %get3A_381 = vector.shape_cast %get3A_380 : vector<1x16xf32> to vector<16xf32>
        %mul3A_382 = arith.constant 11.3137083 : f32
        %mul3A_383 = vector.broadcast %mul3A_382 : f32 to vector<16xf32>
        %mul3A_384 = arith.mulf %get3A_381, %mul3A_383 : vector<16xf32>
        %swap3A = arith.index_cast %scan3A_378 : i32 to index
        %swap3A_385 = arith.constant 0 : index
        %swap3A_386 = tpu.vector_load %arg6[%swap3A, %swap3A_385] {strides = array<i32>} : memref<64x128xf32, #tpu.memory_space<vmem>>, vector<1x16xf32>,
        %swap3A_387 = vector.shape_cast %swap3A_386 : vector<1x16xf32> to vector<16xf32>
        %swap3A_388 = vector.shape_cast %mul3A_384 : vector<16xf32> to vector<1x16xf32>
        tpu.vector_store %arg6[%swap3A, %swap3A_385], %swap3A_388 {strides = array<i32>} : memref<64x128xf32, #tpu.memory_space<vmem>>, vector<1x16xf32>,
        %get3A_389 = arith.index_cast %scan3A_378 : i32 to index
        %get3A_390 = arith.constant 16 : index
        %get3A_391 = tpu.vector_load %arg6[%get3A_389, %get3A_390] {strides = array<i32>} : memref<64x128xf32, #tpu.memory_space<vmem>>, vector<1x16xf32>,
        %get3A_392 = vector.shape_cast %get3A_391 : vector<1x16xf32> to vector<16xf32>
        %mul3A_393 = arith.constant 11.3137083 : f32
        %mul3A_394 = vector.broadcast %mul3A_393 : f32 to vector<16xf32>
        %mul3A_395 = arith.mulf %get3A_392, %mul3A_394 : vector<16xf32>
        %swap3A_396 = arith.index_cast %scan3A_378 : i32 to index
        %swap3A_397 = arith.constant 16 : index
        %swap3A_398 = tpu.vector_load %arg6[%swap3A_396, %swap3A_397] {strides = array<i32>} : memref<64x128xf32, #tpu.memory_space<vmem>>, vector<1x16xf32>,
        %swap3A_399 = vector.shape_cast %swap3A_398 : vector<1x16xf32> to vector<16xf32>
        %swap3A_400 = vector.shape_cast %mul3A_395 : vector<16xf32> to vector<1x16xf32>
        tpu.vector_store %arg6[%swap3A_396, %swap3A_397], %swap3A_400 {strides = array<i32>} : memref<64x128xf32, #tpu.memory_space<vmem>>, vector<1x16xf32>,
        %get3A_401 = arith.index_cast %scan3A_378 : i32 to index
        %get3A_402 = arith.constant 32 : index
        %get3A_403 = tpu.vector_load %arg6[%get3A_401, %get3A_402] {strides = array<i32>} : memref<64x128xf32, #tpu.memory_space<vmem>>, vector<1x16xf32>,
        %get3A_404 = vector.shape_cast %get3A_403 : vector<1x16xf32> to vector<16xf32>
        %mul3A_405 = arith.constant 11.3137083 : f32
        %mul3A_406 = vector.broadcast %mul3A_405 : f32 to vector<16xf32>
        %mul3A_407 = arith.mulf %get3A_404, %mul3A_406 : vector<16xf32>
        %swap3A_408 = arith.index_cast %scan3A_378 : i32 to index
        %swap3A_409 = arith.constant 32 : index
        %swap3A_410 = tpu.vector_load %arg6[%swap3A_408, %swap3A_409] {strides = array<i32>} : memref<64x128xf32, #tpu.memory_space<vmem>>, vector<1x16xf32>,
        %swap3A_411 = vector.shape_cast %swap3A_410 : vector<1x16xf32> to vector<16xf32>
        %swap3A_412 = vector.shape_cast %mul3A_407 : vector<16xf32> to vector<1x16xf32>
        tpu.vector_store %arg6[%swap3A_408, %swap3A_409], %swap3A_412 {strides = array<i32>} : memref<64x128xf32, #tpu.memory_space<vmem>>, vector<1x16xf32>,
        %get3A_413 = arith.index_cast %scan3A_378 : i32 to index
        %get3A_414 = arith.constant 48 : index
        %get3A_415 = tpu.vector_load %arg6[%get3A_413, %get3A_414] {strides = array<i32>} : memref<64x128xf32, #tpu.memory_space<vmem>>, vector<1x16xf32>,
        %get3A_416 = vector.shape_cast %get3A_415 : vector<1x16xf32> to vector<16xf32>
        %mul3A_417 = arith.constant 11.3137083 : f32
        %mul3A_418 = vector.broadcast %mul3A_417 : f32 to vector<16xf32>
        %mul3A_419 = arith.mulf %get3A_416, %mul3A_418 : vector<16xf32>
        %swap3A_420 = arith.index_cast %scan3A_378 : i32 to index
        %swap3A_421 = arith.constant 48 : index
        %swap3A_422 = tpu.vector_load %arg6[%swap3A_420, %swap3A_421] {strides = array<i32>} : memref<64x128xf32, #tpu.memory_space<vmem>>, vector<1x16xf32>,
        %swap3A_423 = vector.shape_cast %swap3A_422 : vector<1x16xf32> to vector<16xf32>
        %swap3A_424 = vector.shape_cast %mul3A_419 : vector<16xf32> to vector<1x16xf32>
        tpu.vector_store %arg6[%swap3A_420, %swap3A_421], %swap3A_424 {strides = array<i32>} : memref<64x128xf32, #tpu.memory_space<vmem>>, vector<1x16xf32>,
        %get3A_425 = arith.index_cast %scan3A_378 : i32 to index
        %get3A_426 = arith.constant 64 : index
        %get3A_427 = tpu.vector_load %arg6[%get3A_425, %get3A_426] {strides = array<i32>} : memref<64x128xf32, #tpu.memory_space<vmem>>, vector<1x16xf32>,
        %get3A_428 = vector.shape_cast %get3A_427 : vector<1x16xf32> to vector<16xf32>
        %mul3A_429 = arith.constant 11.3137083 : f32
        %mul3A_430 = vector.broadcast %mul3A_429 : f32 to vector<16xf32>
        %mul3A_431 = arith.mulf %get3A_428, %mul3A_430 : vector<16xf32>
        %swap3A_432 = arith.index_cast %scan3A_378 : i32 to index
        %swap3A_433 = arith.constant 64 : index
        %swap3A_434 = tpu.vector_load %arg6[%swap3A_432, %swap3A_433] {strides = array<i32>} : memref<64x128xf32, #tpu.memory_space<vmem>>, vector<1x16xf32>,
        %swap3A_435 = vector.shape_cast %swap3A_434 : vector<1x16xf32> to vector<16xf32>
        %swap3A_436 = vector.shape_cast %mul3A_431 : vector<16xf32> to vector<1x16xf32>
        tpu.vector_store %arg6[%swap3A_432, %swap3A_433], %swap3A_436 {strides = array<i32>} : memref<64x128xf32, #tpu.memory_space<vmem>>, vector<1x16xf32>,
        %get3A_437 = arith.index_cast %scan3A_378 : i32 to index
        %get3A_438 = arith.constant 80 : index
        %get3A_439 = tpu.vector_load %arg6[%get3A_437, %get3A_438] {strides = array<i32>} : memref<64x128xf32, #tpu.memory_space<vmem>>, vector<1x16xf32>,
        %get3A_440 = vector.shape_cast %get3A_439 : vector<1x16xf32> to vector<16xf32>
        %mul3A_441 = arith.constant 11.3137083 : f32
        %mul3A_442 = vector.broadcast %mul3A_441 : f32 to vector<16xf32>
        %mul3A_443 = arith.mulf %get3A_440, %mul3A_442 : vector<16xf32>
        %swap3A_444 = arith.index_cast %scan3A_378 : i32 to index
        %swap3A_445 = arith.constant 80 : index
        %swap3A_446 = tpu.vector_load %arg6[%swap3A_444, %swap3A_445] {strides = array<i32>} : memref<64x128xf32, #tpu.memory_space<vmem>>, vector<1x16xf32>,
        %swap3A_447 = vector.shape_cast %swap3A_446 : vector<1x16xf32> to vector<16xf32>
        %swap3A_448 = vector.shape_cast %mul3A_443 : vector<16xf32> to vector<1x16xf32>
        tpu.vector_store %arg6[%swap3A_444, %swap3A_445], %swap3A_448 {strides = array<i32>} : memref<64x128xf32, #tpu.memory_space<vmem>>, vector<1x16xf32>,
        %get3A_449 = arith.index_cast %scan3A_378 : i32 to index
        %get3A_450 = arith.constant 96 : index
        %get3A_451 = tpu.vector_load %arg6[%get3A_449, %get3A_450] {strides = array<i32>} : memref<64x128xf32, #tpu.memory_space<vmem>>, vector<1x16xf32>,
        %get3A_452 = vector.shape_cast %get3A_451 : vector<1x16xf32> to vector<16xf32>
        %mul3A_453 = arith.constant 11.3137083 : f32
        %mul3A_454 = vector.broadcast %mul3A_453 : f32 to vector<16xf32>
        %mul3A_455 = arith.mulf %get3A_452, %mul3A_454 : vector<16xf32>
        %swap3A_456 = arith.index_cast %scan3A_378 : i32 to index
        %swap3A_457 = arith.constant 96 : index
        %swap3A_458 = tpu.vector_load %arg6[%swap3A_456, %swap3A_457] {strides = array<i32>} : memref<64x128xf32, #tpu.memory_space<vmem>>, vector<1x16xf32>,
        %swap3A_459 = vector.shape_cast %swap3A_458 : vector<1x16xf32> to vector<16xf32>
        %swap3A_460 = vector.shape_cast %mul3A_455 : vector<16xf32> to vector<1x16xf32>
        tpu.vector_store %arg6[%swap3A_456, %swap3A_457], %swap3A_460 {strides = array<i32>} : memref<64x128xf32, #tpu.memory_space<vmem>>, vector<1x16xf32>,
        %get3A_461 = arith.index_cast %scan3A_378 : i32 to index
        %get3A_462 = arith.constant 112 : index
        %get3A_463 = tpu.vector_load %arg6[%get3A_461, %get3A_462] {strides = array<i32>} : memref<64x128xf32, #tpu.memory_space<vmem>>, vector<1x16xf32>,
        %get3A_464 = vector.shape_cast %get3A_463 : vector<1x16xf32> to vector<16xf32>
        %mul3A_465 = arith.constant 11.3137083 : f32
        %mul3A_466 = vector.broadcast %mul3A_465 : f32 to vector<16xf32>
        %mul3A_467 = arith.mulf %get3A_464, %mul3A_466 : vector<16xf32>
        %swap3A_468 = arith.index_cast %scan3A_378 : i32 to index
        %swap3A_469 = arith.constant 112 : index
        %swap3A_470 = tpu.vector_load %arg6[%swap3A_468, %swap3A_469] {strides = array<i32>} : memref<64x128xf32, #tpu.memory_space<vmem>>, vector<1x16xf32>,
        %swap3A_471 = vector.shape_cast %swap3A_470 : vector<1x16xf32> to vector<16xf32>
        %swap3A_472 = vector.shape_cast %mul3A_467 : vector<16xf32> to vector<1x16xf32>
        tpu.vector_store %arg6[%swap3A_468, %swap3A_469], %swap3A_472 {strides = array<i32>} : memref<64x128xf32, #tpu.memory_space<vmem>>, vector<1x16xf32>,
      }
      %scan3A_100 = arith.constant 64 : i32
      %mul3A_101 = arith.constant 64 : i32
      %mul3A_102 = arith.muli %add3A_84, %mul3A_101 : i32
      %add3A_103 = arith.addi %mul3A_2, %mul3A_102 : i32
      %dma_start3A_104 = arith.constant 0 : i32
      %dma_start3A_105 = tpu.memref_slice %arg4[%add3A_103, %dma_start3A_104] : memref<204800x128xf32, #tpu.memory_space<hbm>> -> memref<64x128xf32, #tpu.memory_space<hbm>>
      %dma_start3A_106 = arith.constant 0 : i32
      %dma_start3A_107 = tpu.memref_slice %arg4[%add3A_103, %dma_start3A_106] : memref<204800x128xf32, #tpu.memory_space<hbm>> -> memref<64x128xf32, #tpu.memory_space<hbm>>
      tpu.enqueue_dma source(%arg6 : memref<64x128xf32, #tpu.memory_space<vmem>>) target(%dma_start3A_107 : memref<64x128xf32, #tpu.memory_space<hbm>>) target_semaphore(%arg26 : memref<!tpu.dma_semaphore, #tpu.memory_space<semaphore_mem>>)
      %mul3A_108 = arith.constant 10 : i32
      %mul3A_109 = arith.muli %scan3A_80, %mul3A_108 : i32
      %add3A_110 = arith.constant 1 : i32
      %add3A_111 = arith.addi %mul3A_109, %add3A_110 : i32
      %dma_wait3A_112 = arith.constant 0 : i32
      %dma_wait3A_113 = arith.constant 0 : i32
      %dma_wait3A_114 = tpu.memref_slice %arg3[%dma_wait3A_112, %dma_wait3A_113] : memref<100000x128xf32, #tpu.memory_space<hbm>> -> memref<64x128xf32, #tpu.memory_space<hbm>>
      %dma_wait3A_115 = arith.constant 0 : i32
      %dma_wait3A_116 = arith.constant 0 : i32
      %dma_wait3A_117 = tpu.memref_slice %arg3[%dma_wait3A_115, %dma_wait3A_116] : memref<100000x128xf32, #tpu.memory_space<hbm>> -> memref<64x128xf32, #tpu.memory_space<hbm>>
      tpu.wait_dma2 semaphore(%arg17 : memref<!tpu.dma_semaphore, #tpu.memory_space<semaphore_mem>>) src(%dma_wait3A_117 : memref<64x128xf32, #tpu.memory_space<hbm>>) dst(%arg7 : memref<64x128xf32, #tpu.memory_space<vmem>>)
      %add3A_118 = arith.constant 2 : i32
      %add3A_119 = arith.addi %add3A_111, %add3A_118 : i32
      %lt3A_120 = arith.constant 100 : i32
      %lt3A_121 = arith.cmpi slt, %add3A_119, %lt3A_120 : i32
      %convert_element_type3A_122 = arith.extui %lt3A_121 : i1 to i32
      %cond3A_123 = arith.constant 0 : i32
      %cond3A_124 = arith.cmpi ne, %convert_element_type3A_122, %cond3A_123 : i32
      scf.if %cond3A_124 {
        %add3A_378 = arith.constant 2 : i32
        %add3A_379 = arith.addi %add3A_111, %add3A_378 : i32
        %ge3A = arith.constant 10 : i32
        %ge3A_380 = arith.cmpi sge, %add3A_379, %ge3A : i32
        %convert_element_type3A_381 = arith.extui %ge3A_380 : i1 to i32
        %cond3A_382 = arith.constant 0 : i32
        %cond3A_383 = arith.cmpi ne, %convert_element_type3A_381, %cond3A_382 : i32
        scf.if %cond3A_383 {
          %add3A_392 = arith.constant 2 : i32
          %add3A_393 = arith.addi %add3A_111, %add3A_392 : i32
          %sub3A = arith.constant 10 : i32
          %sub3A_394 = arith.subi %add3A_393, %sub3A : i32
          %mul3A_395 = arith.constant 64 : i32
          %mul3A_396 = arith.muli %sub3A_394, %mul3A_395 : i32
          %add3A_397 = arith.addi %mul3A_2, %mul3A_396 : i32
          %dma_wait3A_398 = arith.constant 0 : i32
          %dma_wait3A_399 = tpu.memref_slice %arg4[%add3A_397, %dma_wait3A_398] : memref<204800x128xf32, #tpu.memory_space<hbm>> -> memref<64x128xf32, #tpu.memory_space<hbm>>
          %dma_wait3A_400 = arith.constant 0 : i32
          %dma_wait3A_401 = tpu.memref_slice %arg4[%add3A_397, %dma_wait3A_400] : memref<204800x128xf32, #tpu.memory_space<hbm>> -> memref<64x128xf32, #tpu.memory_space<hbm>>
          tpu.wait_dma2 semaphore(%arg29 : memref<!tpu.dma_semaphore, #tpu.memory_space<semaphore_mem>>) src(%arg9 : memref<64x128xf32, #tpu.memory_space<vmem>>) dst(%dma_wait3A_401 : memref<64x128xf32, #tpu.memory_space<hbm>>)
        } else {
        }
        %add3A_384 = arith.constant 2 : i32
        %add3A_385 = arith.addi %add3A_111, %add3A_384 : i32
        %dma_start3A_386 = arith.constant 0 : i32
        %dma_start3A_387 = tpu.memref_slice %arg5[%add3A_385, %dma_start3A_386] : memref<100x64xi32, #tpu.memory_space<vmem>> -> memref<1x64xi32, #tpu.memory_space<vmem>>
        %dma_start3A_388 = tpu.memref_squeeze %dma_start3A_387 : memref<1x64xi32, #tpu.memory_space<vmem>> -> memref<64xi32, #tpu.memory_space<vmem>>
        %dma_start3A_389 = arith.constant 0 : i32
        %dma_start3A_390 = arith.constant 0 : i32
        %dma_start3A_391 = tpu.memref_slice %arg3[%dma_start3A_389, %dma_start3A_390] : memref<100000x128xf32, #tpu.memory_space<hbm>> -> memref<100000x128xf32, #tpu.memory_space<hbm>>
        tpu.enqueue_indirect_dma source(%dma_start3A_391 : memref<100000x128xf32, #tpu.memory_space<hbm>>) target(%arg9 : memref<64x128xf32, #tpu.memory_space<vmem>>) offsets(%dma_start3A_388 : memref<64xi32, #tpu.memory_space<vmem>>) semaphore(%arg19 : memref<!tpu.dma_semaphore, #tpu.memory_space<semaphore_mem>>)
      } else {
      }
      %scan3A_125 = arith.constant 0 : i32
      %scan3A_126 = arith.constant 0 : i32
      %scan3A_127 = arith.constant 64 : i32
      %scan3A_128 = arith.addi %scan3A_126, %scan3A_127 : i32
      %scan3A_129 = arith.constant 1 : i32
      scf.for %scan3A_378 = %scan3A_126 to %scan3A_128 step %scan3A_129  : i32 {
        %get3A = arith.index_cast %scan3A_378 : i32 to index
        %get3A_379 = arith.constant 0 : index
        %get3A_380 = tpu.vector_load %arg7[%get3A, %get3A_379] {strides = array<i32>} : memref<64x128xf32, #tpu.memory_space<vmem>>, vector<1x16xf32>,
        %get3A_381 = vector.shape_cast %get3A_380 : vector<1x16xf32> to vector<16xf32>
        %mul3A_382 = arith.constant 11.3137083 : f32
        %mul3A_383 = vector.broadcast %mul3A_382 : f32 to vector<16xf32>
        %mul3A_384 = arith.mulf %get3A_381, %mul3A_383 : vector<16xf32>
        %swap3A = arith.index_cast %scan3A_378 : i32 to index
        %swap3A_385 = arith.constant 0 : index
        %swap3A_386 = tpu.vector_load %arg7[%swap3A, %swap3A_385] {strides = array<i32>} : memref<64x128xf32, #tpu.memory_space<vmem>>, vector<1x16xf32>,
        %swap3A_387 = vector.shape_cast %swap3A_386 : vector<1x16xf32> to vector<16xf32>
        %swap3A_388 = vector.shape_cast %mul3A_384 : vector<16xf32> to vector<1x16xf32>
        tpu.vector_store %arg7[%swap3A, %swap3A_385], %swap3A_388 {strides = array<i32>} : memref<64x128xf32, #tpu.memory_space<vmem>>, vector<1x16xf32>,
        %get3A_389 = arith.index_cast %scan3A_378 : i32 to index
        %get3A_390 = arith.constant 16 : index
        %get3A_391 = tpu.vector_load %arg7[%get3A_389, %get3A_390] {strides = array<i32>} : memref<64x128xf32, #tpu.memory_space<vmem>>, vector<1x16xf32>,
        %get3A_392 = vector.shape_cast %get3A_391 : vector<1x16xf32> to vector<16xf32>
        %mul3A_393 = arith.constant 11.3137083 : f32
        %mul3A_394 = vector.broadcast %mul3A_393 : f32 to vector<16xf32>
        %mul3A_395 = arith.mulf %get3A_392, %mul3A_394 : vector<16xf32>
        %swap3A_396 = arith.index_cast %scan3A_378 : i32 to index
        %swap3A_397 = arith.constant 16 : index
        %swap3A_398 = tpu.vector_load %arg7[%swap3A_396, %swap3A_397] {strides = array<i32>} : memref<64x128xf32, #tpu.memory_space<vmem>>, vector<1x16xf32>,
        %swap3A_399 = vector.shape_cast %swap3A_398 : vector<1x16xf32> to vector<16xf32>
        %swap3A_400 = vector.shape_cast %mul3A_395 : vector<16xf32> to vector<1x16xf32>
        tpu.vector_store %arg7[%swap3A_396, %swap3A_397], %swap3A_400 {strides = array<i32>} : memref<64x128xf32, #tpu.memory_space<vmem>>, vector<1x16xf32>,
        %get3A_401 = arith.index_cast %scan3A_378 : i32 to index
        %get3A_402 = arith.constant 32 : index
        %get3A_403 = tpu.vector_load %arg7[%get3A_401, %get3A_402] {strides = array<i32>} : memref<64x128xf32, #tpu.memory_space<vmem>>, vector<1x16xf32>,
        %get3A_404 = vector.shape_cast %get3A_403 : vector<1x16xf32> to vector<16xf32>
        %mul3A_405 = arith.constant 11.3137083 : f32
        %mul3A_406 = vector.broadcast %mul3A_405 : f32 to vector<16xf32>
        %mul3A_407 = arith.mulf %get3A_404, %mul3A_406 : vector<16xf32>
        %swap3A_408 = arith.index_cast %scan3A_378 : i32 to index
        %swap3A_409 = arith.constant 32 : index
        %swap3A_410 = tpu.vector_load %arg7[%swap3A_408, %swap3A_409] {strides = array<i32>} : memref<64x128xf32, #tpu.memory_space<vmem>>, vector<1x16xf32>,
        %swap3A_411 = vector.shape_cast %swap3A_410 : vector<1x16xf32> to vector<16xf32>
        %swap3A_412 = vector.shape_cast %mul3A_407 : vector<16xf32> to vector<1x16xf32>
        tpu.vector_store %arg7[%swap3A_408, %swap3A_409], %swap3A_412 {strides = array<i32>} : memref<64x128xf32, #tpu.memory_space<vmem>>, vector<1x16xf32>,
        %get3A_413 = arith.index_cast %scan3A_378 : i32 to index
        %get3A_414 = arith.constant 48 : index
        %get3A_415 = tpu.vector_load %arg7[%get3A_413, %get3A_414] {strides = array<i32>} : memref<64x128xf32, #tpu.memory_space<vmem>>, vector<1x16xf32>,
        %get3A_416 = vector.shape_cast %get3A_415 : vector<1x16xf32> to vector<16xf32>
        %mul3A_417 = arith.constant 11.3137083 : f32
        %mul3A_418 = vector.broadcast %mul3A_417 : f32 to vector<16xf32>
        %mul3A_419 = arith.mulf %get3A_416, %mul3A_418 : vector<16xf32>
        %swap3A_420 = arith.index_cast %scan3A_378 : i32 to index
        %swap3A_421 = arith.constant 48 : index
        %swap3A_422 = tpu.vector_load %arg7[%swap3A_420, %swap3A_421] {strides = array<i32>} : memref<64x128xf32, #tpu.memory_space<vmem>>, vector<1x16xf32>,
        %swap3A_423 = vector.shape_cast %swap3A_422 : vector<1x16xf32> to vector<16xf32>
        %swap3A_424 = vector.shape_cast %mul3A_419 : vector<16xf32> to vector<1x16xf32>
        tpu.vector_store %arg7[%swap3A_420, %swap3A_421], %swap3A_424 {strides = array<i32>} : memref<64x128xf32, #tpu.memory_space<vmem>>, vector<1x16xf32>,
        %get3A_425 = arith.index_cast %scan3A_378 : i32 to index
        %get3A_426 = arith.constant 64 : index
        %get3A_427 = tpu.vector_load %arg7[%get3A_425, %get3A_426] {strides = array<i32>} : memref<64x128xf32, #tpu.memory_space<vmem>>, vector<1x16xf32>,
        %get3A_428 = vector.shape_cast %get3A_427 : vector<1x16xf32> to vector<16xf32>
        %mul3A_429 = arith.constant 11.3137083 : f32
        %mul3A_430 = vector.broadcast %mul3A_429 : f32 to vector<16xf32>
        %mul3A_431 = arith.mulf %get3A_428, %mul3A_430 : vector<16xf32>
        %swap3A_432 = arith.index_cast %scan3A_378 : i32 to index
        %swap3A_433 = arith.constant 64 : index
        %swap3A_434 = tpu.vector_load %arg7[%swap3A_432, %swap3A_433] {strides = array<i32>} : memref<64x128xf32, #tpu.memory_space<vmem>>, vector<1x16xf32>,
        %swap3A_435 = vector.shape_cast %swap3A_434 : vector<1x16xf32> to vector<16xf32>
        %swap3A_436 = vector.shape_cast %mul3A_431 : vector<16xf32> to vector<1x16xf32>
        tpu.vector_store %arg7[%swap3A_432, %swap3A_433], %swap3A_436 {strides = array<i32>} : memref<64x128xf32, #tpu.memory_space<vmem>>, vector<1x16xf32>,
        %get3A_437 = arith.index_cast %scan3A_378 : i32 to index
        %get3A_438 = arith.constant 80 : index
        %get3A_439 = tpu.vector_load %arg7[%get3A_437, %get3A_438] {strides = array<i32>} : memref<64x128xf32, #tpu.memory_space<vmem>>, vector<1x16xf32>,
        %get3A_440 = vector.shape_cast %get3A_439 : vector<1x16xf32> to vector<16xf32>
        %mul3A_441 = arith.constant 11.3137083 : f32
        %mul3A_442 = vector.broadcast %mul3A_441 : f32 to vector<16xf32>
        %mul3A_443 = arith.mulf %get3A_440, %mul3A_442 : vector<16xf32>
        %swap3A_444 = arith.index_cast %scan3A_378 : i32 to index
        %swap3A_445 = arith.constant 80 : index
        %swap3A_446 = tpu.vector_load %arg7[%swap3A_444, %swap3A_445] {strides = array<i32>} : memref<64x128xf32, #tpu.memory_space<vmem>>, vector<1x16xf32>,
        %swap3A_447 = vector.shape_cast %swap3A_446 : vector<1x16xf32> to vector<16xf32>
        %swap3A_448 = vector.shape_cast %mul3A_443 : vector<16xf32> to vector<1x16xf32>
        tpu.vector_store %arg7[%swap3A_444, %swap3A_445], %swap3A_448 {strides = array<i32>} : memref<64x128xf32, #tpu.memory_space<vmem>>, vector<1x16xf32>,
        %get3A_449 = arith.index_cast %scan3A_378 : i32 to index
        %get3A_450 = arith.constant 96 : index
        %get3A_451 = tpu.vector_load %arg7[%get3A_449, %get3A_450] {strides = array<i32>} : memref<64x128xf32, #tpu.memory_space<vmem>>, vector<1x16xf32>,
        %get3A_452 = vector.shape_cast %get3A_451 : vector<1x16xf32> to vector<16xf32>
        %mul3A_453 = arith.constant 11.3137083 : f32
        %mul3A_454 = vector.broadcast %mul3A_453 : f32 to vector<16xf32>
        %mul3A_455 = arith.mulf %get3A_452, %mul3A_454 : vector<16xf32>
        %swap3A_456 = arith.index_cast %scan3A_378 : i32 to index
        %swap3A_457 = arith.constant 96 : index
        %swap3A_458 = tpu.vector_load %arg7[%swap3A_456, %swap3A_457] {strides = array<i32>} : memref<64x128xf32, #tpu.memory_space<vmem>>, vector<1x16xf32>,
        %swap3A_459 = vector.shape_cast %swap3A_458 : vector<1x16xf32> to vector<16xf32>
        %swap3A_460 = vector.shape_cast %mul3A_455 : vector<16xf32> to vector<1x16xf32>
        tpu.vector_store %arg7[%swap3A_456, %swap3A_457], %swap3A_460 {strides = array<i32>} : memref<64x128xf32, #tpu.memory_space<vmem>>, vector<1x16xf32>,
        %get3A_461 = arith.index_cast %scan3A_378 : i32 to index
        %get3A_462 = arith.constant 112 : index
        %get3A_463 = tpu.vector_load %arg7[%get3A_461, %get3A_462] {strides = array<i32>} : memref<64x128xf32, #tpu.memory_space<vmem>>, vector<1x16xf32>,
        %get3A_464 = vector.shape_cast %get3A_463 : vector<1x16xf32> to vector<16xf32>
        %mul3A_465 = arith.constant 11.3137083 : f32
        %mul3A_466 = vector.broadcast %mul3A_465 : f32 to vector<16xf32>
        %mul3A_467 = arith.mulf %get3A_464, %mul3A_466 : vector<16xf32>
        %swap3A_468 = arith.index_cast %scan3A_378 : i32 to index
        %swap3A_469 = arith.constant 112 : index
        %swap3A_470 = tpu.vector_load %arg7[%swap3A_468, %swap3A_469] {strides = array<i32>} : memref<64x128xf32, #tpu.memory_space<vmem>>, vector<1x16xf32>,
        %swap3A_471 = vector.shape_cast %swap3A_470 : vector<1x16xf32> to vector<16xf32>
        %swap3A_472 = vector.shape_cast %mul3A_467 : vector<16xf32> to vector<1x16xf32>
        tpu.vector_store %arg7[%swap3A_468, %swap3A_469], %swap3A_472 {strides = array<i32>} : memref<64x128xf32, #tpu.memory_space<vmem>>, vector<1x16xf32>,
      }
      %scan3A_130 = arith.constant 64 : i32
      %mul3A_131 = arith.constant 64 : i32
      %mul3A_132 = arith.muli %add3A_111, %mul3A_131 : i32
      %add3A_133 = arith.addi %mul3A_2, %mul3A_132 : i32
      %dma_start3A_134 = arith.constant 0 : i32
      %dma_start3A_135 = tpu.memref_slice %arg4[%add3A_133, %dma_start3A_134] : memref<204800x128xf32, #tpu.memory_space<hbm>> -> memref<64x128xf32, #tpu.memory_space<hbm>>
      %dma_start3A_136 = arith.constant 0 : i32
      %dma_start3A_137 = tpu.memref_slice %arg4[%add3A_133, %dma_start3A_136] : memref<204800x128xf32, #tpu.memory_space<hbm>> -> memref<64x128xf32, #tpu.memory_space<hbm>>
      tpu.enqueue_dma source(%arg7 : memref<64x128xf32, #tpu.memory_space<vmem>>) target(%dma_start3A_137 : memref<64x128xf32, #tpu.memory_space<hbm>>) target_semaphore(%arg27 : memref<!tpu.dma_semaphore, #tpu.memory_space<semaphore_mem>>)
      %mul3A_138 = arith.constant 10 : i32
      %mul3A_139 = arith.muli %scan3A_80, %mul3A_138 : i32
      %add3A_140 = arith.constant 2 : i32
      %add3A_141 = arith.addi %mul3A_139, %add3A_140 : i32
      %dma_wait3A_142 = arith.constant 0 : i32
      %dma_wait3A_143 = arith.constant 0 : i32
      %dma_wait3A_144 = tpu.memref_slice %arg3[%dma_wait3A_142, %dma_wait3A_143] : memref<100000x128xf32, #tpu.memory_space<hbm>> -> memref<64x128xf32, #tpu.memory_space<hbm>>
      %dma_wait3A_145 = arith.constant 0 : i32
      %dma_wait3A_146 = arith.constant 0 : i32
      %dma_wait3A_147 = tpu.memref_slice %arg3[%dma_wait3A_145, %dma_wait3A_146] : memref<100000x128xf32, #tpu.memory_space<hbm>> -> memref<64x128xf32, #tpu.memory_space<hbm>>
      tpu.wait_dma2 semaphore(%arg18 : memref<!tpu.dma_semaphore, #tpu.memory_space<semaphore_mem>>) src(%dma_wait3A_147 : memref<64x128xf32, #tpu.memory_space<hbm>>) dst(%arg8 : memref<64x128xf32, #tpu.memory_space<vmem>>)
      %add3A_148 = arith.constant 2 : i32
      %add3A_149 = arith.addi %add3A_141, %add3A_148 : i32
      %lt3A_150 = arith.constant 100 : i32
      %lt3A_151 = arith.cmpi slt, %add3A_149, %lt3A_150 : i32
      %convert_element_type3A_152 = arith.extui %lt3A_151 : i1 to i32
      %cond3A_153 = arith.constant 0 : i32
      %cond3A_154 = arith.cmpi ne, %convert_element_type3A_152, %cond3A_153 : i32
      scf.if %cond3A_154 {
        %add3A_378 = arith.constant 2 : i32
        %add3A_379 = arith.addi %add3A_141, %add3A_378 : i32
        %ge3A = arith.constant 10 : i32
        %ge3A_380 = arith.cmpi sge, %add3A_379, %ge3A : i32
        %convert_element_type3A_381 = arith.extui %ge3A_380 : i1 to i32
        %cond3A_382 = arith.constant 0 : i32
        %cond3A_383 = arith.cmpi ne, %convert_element_type3A_381, %cond3A_382 : i32
        scf.if %cond3A_383 {
          %add3A_392 = arith.constant 2 : i32
          %add3A_393 = arith.addi %add3A_141, %add3A_392 : i32
          %sub3A = arith.constant 10 : i32
          %sub3A_394 = arith.subi %add3A_393, %sub3A : i32
          %mul3A_395 = arith.constant 64 : i32
          %mul3A_396 = arith.muli %sub3A_394, %mul3A_395 : i32
          %add3A_397 = arith.addi %mul3A_2, %mul3A_396 : i32
          %dma_wait3A_398 = arith.constant 0 : i32
          %dma_wait3A_399 = tpu.memref_slice %arg4[%add3A_397, %dma_wait3A_398] : memref<204800x128xf32, #tpu.memory_space<hbm>> -> memref<64x128xf32, #tpu.memory_space<hbm>>
          %dma_wait3A_400 = arith.constant 0 : i32
          %dma_wait3A_401 = tpu.memref_slice %arg4[%add3A_397, %dma_wait3A_400] : memref<204800x128xf32, #tpu.memory_space<hbm>> -> memref<64x128xf32, #tpu.memory_space<hbm>>
          tpu.wait_dma2 semaphore(%arg30 : memref<!tpu.dma_semaphore, #tpu.memory_space<semaphore_mem>>) src(%arg10 : memref<64x128xf32, #tpu.memory_space<vmem>>) dst(%dma_wait3A_401 : memref<64x128xf32, #tpu.memory_space<hbm>>)
        } else {
        }
        %add3A_384 = arith.constant 2 : i32
        %add3A_385 = arith.addi %add3A_141, %add3A_384 : i32
        %dma_start3A_386 = arith.constant 0 : i32
        %dma_start3A_387 = tpu.memref_slice %arg5[%add3A_385, %dma_start3A_386] : memref<100x64xi32, #tpu.memory_space<vmem>> -> memref<1x64xi32, #tpu.memory_space<vmem>>
        %dma_start3A_388 = tpu.memref_squeeze %dma_start3A_387 : memref<1x64xi32, #tpu.memory_space<vmem>> -> memref<64xi32, #tpu.memory_space<vmem>>
        %dma_start3A_389 = arith.constant 0 : i32
        %dma_start3A_390 = arith.constant 0 : i32
        %dma_start3A_391 = tpu.memref_slice %arg3[%dma_start3A_389, %dma_start3A_390] : memref<100000x128xf32, #tpu.memory_space<hbm>> -> memref<100000x128xf32, #tpu.memory_space<hbm>>
        tpu.enqueue_indirect_dma source(%dma_start3A_391 : memref<100000x128xf32, #tpu.memory_space<hbm>>) target(%arg10 : memref<64x128xf32, #tpu.memory_space<vmem>>) offsets(%dma_start3A_388 : memref<64xi32, #tpu.memory_space<vmem>>) semaphore(%arg20 : memref<!tpu.dma_semaphore, #tpu.memory_space<semaphore_mem>>)
      } else {
      }
      %scan3A_155 = arith.constant 0 : i32
      %scan3A_156 = arith.constant 0 : i32
      %scan3A_157 = arith.constant 64 : i32
      %scan3A_158 = arith.addi %scan3A_156, %scan3A_157 : i32
      %scan3A_159 = arith.constant 1 : i32
      scf.for %scan3A_378 = %scan3A_156 to %scan3A_158 step %scan3A_159  : i32 {
        %get3A = arith.index_cast %scan3A_378 : i32 to index
        %get3A_379 = arith.constant 0 : index
        %get3A_380 = tpu.vector_load %arg8[%get3A, %get3A_379] {strides = array<i32>} : memref<64x128xf32, #tpu.memory_space<vmem>>, vector<1x16xf32>,
        %get3A_381 = vector.shape_cast %get3A_380 : vector<1x16xf32> to vector<16xf32>
        %mul3A_382 = arith.constant 11.3137083 : f32
        %mul3A_383 = vector.broadcast %mul3A_382 : f32 to vector<16xf32>
        %mul3A_384 = arith.mulf %get3A_381, %mul3A_383 : vector<16xf32>
        %swap3A = arith.index_cast %scan3A_378 : i32 to index
        %swap3A_385 = arith.constant 0 : index
        %swap3A_386 = tpu.vector_load %arg8[%swap3A, %swap3A_385] {strides = array<i32>} : memref<64x128xf32, #tpu.memory_space<vmem>>, vector<1x16xf32>,
        %swap3A_387 = vector.shape_cast %swap3A_386 : vector<1x16xf32> to vector<16xf32>
        %swap3A_388 = vector.shape_cast %mul3A_384 : vector<16xf32> to vector<1x16xf32>
        tpu.vector_store %arg8[%swap3A, %swap3A_385], %swap3A_388 {strides = array<i32>} : memref<64x128xf32, #tpu.memory_space<vmem>>, vector<1x16xf32>,
        %get3A_389 = arith.index_cast %scan3A_378 : i32 to index
        %get3A_390 = arith.constant 16 : index
        %get3A_391 = tpu.vector_load %arg8[%get3A_389, %get3A_390] {strides = array<i32>} : memref<64x128xf32, #tpu.memory_space<vmem>>, vector<1x16xf32>,
        %get3A_392 = vector.shape_cast %get3A_391 : vector<1x16xf32> to vector<16xf32>
        %mul3A_393 = arith.constant 11.3137083 : f32
        %mul3A_394 = vector.broadcast %mul3A_393 : f32 to vector<16xf32>
        %mul3A_395 = arith.mulf %get3A_392, %mul3A_394 : vector<16xf32>
        %swap3A_396 = arith.index_cast %scan3A_378 : i32 to index
        %swap3A_397 = arith.constant 16 : index
        %swap3A_398 = tpu.vector_load %arg8[%swap3A_396, %swap3A_397] {strides = array<i32>} : memref<64x128xf32, #tpu.memory_space<vmem>>, vector<1x16xf32>,
        %swap3A_399 = vector.shape_cast %swap3A_398 : vector<1x16xf32> to vector<16xf32>
        %swap3A_400 = vector.shape_cast %mul3A_395 : vector<16xf32> to vector<1x16xf32>
        tpu.vector_store %arg8[%swap3A_396, %swap3A_397], %swap3A_400 {strides = array<i32>} : memref<64x128xf32, #tpu.memory_space<vmem>>, vector<1x16xf32>,
        %get3A_401 = arith.index_cast %scan3A_378 : i32 to index
        %get3A_402 = arith.constant 32 : index
        %get3A_403 = tpu.vector_load %arg8[%get3A_401, %get3A_402] {strides = array<i32>} : memref<64x128xf32, #tpu.memory_space<vmem>>, vector<1x16xf32>,
        %get3A_404 = vector.shape_cast %get3A_403 : vector<1x16xf32> to vector<16xf32>
        %mul3A_405 = arith.constant 11.3137083 : f32
        %mul3A_406 = vector.broadcast %mul3A_405 : f32 to vector<16xf32>
        %mul3A_407 = arith.mulf %get3A_404, %mul3A_406 : vector<16xf32>
        %swap3A_408 = arith.index_cast %scan3A_378 : i32 to index
        %swap3A_409 = arith.constant 32 : index
        %swap3A_410 = tpu.vector_load %arg8[%swap3A_408, %swap3A_409] {strides = array<i32>} : memref<64x128xf32, #tpu.memory_space<vmem>>, vector<1x16xf32>,
        %swap3A_411 = vector.shape_cast %swap3A_410 : vector<1x16xf32> to vector<16xf32>
        %swap3A_412 = vector.shape_cast %mul3A_407 : vector<16xf32> to vector<1x16xf32>
        tpu.vector_store %arg8[%swap3A_408, %swap3A_409], %swap3A_412 {strides = array<i32>} : memref<64x128xf32, #tpu.memory_space<vmem>>, vector<1x16xf32>,
        %get3A_413 = arith.index_cast %scan3A_378 : i32 to index
        %get3A_414 = arith.constant 48 : index
        %get3A_415 = tpu.vector_load %arg8[%get3A_413, %get3A_414] {strides = array<i32>} : memref<64x128xf32, #tpu.memory_space<vmem>>, vector<1x16xf32>,
        %get3A_416 = vector.shape_cast %get3A_415 : vector<1x16xf32> to vector<16xf32>
        %mul3A_417 = arith.constant 11.3137083 : f32
        %mul3A_418 = vector.broadcast %mul3A_417 : f32 to vector<16xf32>
        %mul3A_419 = arith.mulf %get3A_416, %mul3A_418 : vector<16xf32>
        %swap3A_420 = arith.index_cast %scan3A_378 : i32 to index
        %swap3A_421 = arith.constant 48 : index
        %swap3A_422 = tpu.vector_load %arg8[%swap3A_420, %swap3A_421] {strides = array<i32>} : memref<64x128xf32, #tpu.memory_space<vmem>>, vector<1x16xf32>,
        %swap3A_423 = vector.shape_cast %swap3A_422 : vector<1x16xf32> to vector<16xf32>
        %swap3A_424 = vector.shape_cast %mul3A_419 : vector<16xf32> to vector<1x16xf32>
        tpu.vector_store %arg8[%swap3A_420, %swap3A_421], %swap3A_424 {strides = array<i32>} : memref<64x128xf32, #tpu.memory_space<vmem>>, vector<1x16xf32>,
        %get3A_425 = arith.index_cast %scan3A_378 : i32 to index
        %get3A_426 = arith.constant 64 : index
        %get3A_427 = tpu.vector_load %arg8[%get3A_425, %get3A_426] {strides = array<i32>} : memref<64x128xf32, #tpu.memory_space<vmem>>, vector<1x16xf32>,
        %get3A_428 = vector.shape_cast %get3A_427 : vector<1x16xf32> to vector<16xf32>
        %mul3A_429 = arith.constant 11.3137083 : f32
        %mul3A_430 = vector.broadcast %mul3A_429 : f32 to vector<16xf32>
        %mul3A_431 = arith.mulf %get3A_428, %mul3A_430 : vector<16xf32>
        %swap3A_432 = arith.index_cast %scan3A_378 : i32 to index
        %swap3A_433 = arith.constant 64 : index
        %swap3A_434 = tpu.vector_load %arg8[%swap3A_432, %swap3A_433] {strides = array<i32>} : memref<64x128xf32, #tpu.memory_space<vmem>>, vector<1x16xf32>,
        %swap3A_435 = vector.shape_cast %swap3A_434 : vector<1x16xf32> to vector<16xf32>
        %swap3A_436 = vector.shape_cast %mul3A_431 : vector<16xf32> to vector<1x16xf32>
        tpu.vector_store %arg8[%swap3A_432, %swap3A_433], %swap3A_436 {strides = array<i32>} : memref<64x128xf32, #tpu.memory_space<vmem>>, vector<1x16xf32>,
        %get3A_437 = arith.index_cast %scan3A_378 : i32 to index
        %get3A_438 = arith.constant 80 : index
        %get3A_439 = tpu.vector_load %arg8[%get3A_437, %get3A_438] {strides = array<i32>} : memref<64x128xf32, #tpu.memory_space<vmem>>, vector<1x16xf32>,
        %get3A_440 = vector.shape_cast %get3A_439 : vector<1x16xf32> to vector<16xf32>
        %mul3A_441 = arith.constant 11.3137083 : f32
        %mul3A_442 = vector.broadcast %mul3A_441 : f32 to vector<16xf32>
        %mul3A_443 = arith.mulf %get3A_440, %mul3A_442 : vector<16xf32>
        %swap3A_444 = arith.index_cast %scan3A_378 : i32 to index
        %swap3A_445 = arith.constant 80 : index
        %swap3A_446 = tpu.vector_load %arg8[%swap3A_444, %swap3A_445] {strides = array<i32>} : memref<64x128xf32, #tpu.memory_space<vmem>>, vector<1x16xf32>,
        %swap3A_447 = vector.shape_cast %swap3A_446 : vector<1x16xf32> to vector<16xf32>
        %swap3A_448 = vector.shape_cast %mul3A_443 : vector<16xf32> to vector<1x16xf32>
        tpu.vector_store %arg8[%swap3A_444, %swap3A_445], %swap3A_448 {strides = array<i32>} : memref<64x128xf32, #tpu.memory_space<vmem>>, vector<1x16xf32>,
        %get3A_449 = arith.index_cast %scan3A_378 : i32 to index
        %get3A_450 = arith.constant 96 : index
        %get3A_451 = tpu.vector_load %arg8[%get3A_449, %get3A_450] {strides = array<i32>} : memref<64x128xf32, #tpu.memory_space<vmem>>, vector<1x16xf32>,
        %get3A_452 = vector.shape_cast %get3A_451 : vector<1x16xf32> to vector<16xf32>
        %mul3A_453 = arith.constant 11.3137083 : f32
        %mul3A_454 = vector.broadcast %mul3A_453 : f32 to vector<16xf32>
        %mul3A_455 = arith.mulf %get3A_452, %mul3A_454 : vector<16xf32>
        %swap3A_456 = arith.index_cast %scan3A_378 : i32 to index
        %swap3A_457 = arith.constant 96 : index
        %swap3A_458 = tpu.vector_load %arg8[%swap3A_456, %swap3A_457] {strides = array<i32>} : memref<64x128xf32, #tpu.memory_space<vmem>>, vector<1x16xf32>,
        %swap3A_459 = vector.shape_cast %swap3A_458 : vector<1x16xf32> to vector<16xf32>
        %swap3A_460 = vector.shape_cast %mul3A_455 : vector<16xf32> to vector<1x16xf32>
        tpu.vector_store %arg8[%swap3A_456, %swap3A_457], %swap3A_460 {strides = array<i32>} : memref<64x128xf32, #tpu.memory_space<vmem>>, vector<1x16xf32>,
        %get3A_461 = arith.index_cast %scan3A_378 : i32 to index
        %get3A_462 = arith.constant 112 : index
        %get3A_463 = tpu.vector_load %arg8[%get3A_461, %get3A_462] {strides = array<i32>} : memref<64x128xf32, #tpu.memory_space<vmem>>, vector<1x16xf32>,
        %get3A_464 = vector.shape_cast %get3A_463 : vector<1x16xf32> to vector<16xf32>
        %mul3A_465 = arith.constant 11.3137083 : f32
        %mul3A_466 = vector.broadcast %mul3A_465 : f32 to vector<16xf32>
        %mul3A_467 = arith.mulf %get3A_464, %mul3A_466 : vector<16xf32>
        %swap3A_468 = arith.index_cast %scan3A_378 : i32 to index
        %swap3A_469 = arith.constant 112 : index
        %swap3A_470 = tpu.vector_load %arg8[%swap3A_468, %swap3A_469] {strides = array<i32>} : memref<64x128xf32, #tpu.memory_space<vmem>>, vector<1x16xf32>,
        %swap3A_471 = vector.shape_cast %swap3A_470 : vector<1x16xf32> to vector<16xf32>
        %swap3A_472 = vector.shape_cast %mul3A_467 : vector<16xf32> to vector<1x16xf32>
        tpu.vector_store %arg8[%swap3A_468, %swap3A_469], %swap3A_472 {strides = array<i32>} : memref<64x128xf32, #tpu.memory_space<vmem>>, vector<1x16xf32>,
      }
      %scan3A_160 = arith.constant 64 : i32
      %mul3A_161 = arith.constant 64 : i32
      %mul3A_162 = arith.muli %add3A_141, %mul3A_161 : i32
      %add3A_163 = arith.addi %mul3A_2, %mul3A_162 : i32
      %dma_start3A_164 = arith.constant 0 : i32
      %dma_start3A_165 = tpu.memref_slice %arg4[%add3A_163, %dma_start3A_164] : memref<204800x128xf32, #tpu.memory_space<hbm>> -> memref<64x128xf32, #tpu.memory_space<hbm>>
      %dma_start3A_166 = arith.constant 0 : i32
      %dma_start3A_167 = tpu.memref_slice %arg4[%add3A_163, %dma_start3A_166] : memref<204800x128xf32, #tpu.memory_space<hbm>> -> memref<64x128xf32, #tpu.memory_space<hbm>>
      tpu.enqueue_dma source(%arg8 : memref<64x128xf32, #tpu.memory_space<vmem>>) target(%dma_start3A_167 : memref<64x128xf32, #tpu.memory_space<hbm>>) target_semaphore(%arg28 : memref<!tpu.dma_semaphore, #tpu.memory_space<semaphore_mem>>)
      %mul3A_168 = arith.constant 10 : i32
      %mul3A_169 = arith.muli %scan3A_80, %mul3A_168 : i32
      %add3A_170 = arith.constant 3 : i32
      %add3A_171 = arith.addi %mul3A_169, %add3A_170 : i32
      %dma_wait3A_172 = arith.constant 0 : i32
      %dma_wait3A_173 = arith.constant 0 : i32
      %dma_wait3A_174 = tpu.memref_slice %arg3[%dma_wait3A_172, %dma_wait3A_173] : memref<100000x128xf32, #tpu.memory_space<hbm>> -> memref<64x128xf32, #tpu.memory_space<hbm>>
      %dma_wait3A_175 = arith.constant 0 : i32
      %dma_wait3A_176 = arith.constant 0 : i32
      %dma_wait3A_177 = tpu.memref_slice %arg3[%dma_wait3A_175, %dma_wait3A_176] : memref<100000x128xf32, #tpu.memory_space<hbm>> -> memref<64x128xf32, #tpu.memory_space<hbm>>
      tpu.wait_dma2 semaphore(%arg19 : memref<!tpu.dma_semaphore, #tpu.memory_space<semaphore_mem>>) src(%dma_wait3A_177 : memref<64x128xf32, #tpu.memory_space<hbm>>) dst(%arg9 : memref<64x128xf32, #tpu.memory_space<vmem>>)
      %add3A_178 = arith.constant 2 : i32
      %add3A_179 = arith.addi %add3A_171, %add3A_178 : i32
      %lt3A_180 = arith.constant 100 : i32
      %lt3A_181 = arith.cmpi slt, %add3A_179, %lt3A_180 : i32
      %convert_element_type3A_182 = arith.extui %lt3A_181 : i1 to i32
      %cond3A_183 = arith.constant 0 : i32
      %cond3A_184 = arith.cmpi ne, %convert_element_type3A_182, %cond3A_183 : i32
      scf.if %cond3A_184 {
        %add3A_378 = arith.constant 2 : i32
        %add3A_379 = arith.addi %add3A_171, %add3A_378 : i32
        %ge3A = arith.constant 10 : i32
        %ge3A_380 = arith.cmpi sge, %add3A_379, %ge3A : i32
        %convert_element_type3A_381 = arith.extui %ge3A_380 : i1 to i32
        %cond3A_382 = arith.constant 0 : i32
        %cond3A_383 = arith.cmpi ne, %convert_element_type3A_381, %cond3A_382 : i32
        scf.if %cond3A_383 {
          %add3A_392 = arith.constant 2 : i32
          %add3A_393 = arith.addi %add3A_171, %add3A_392 : i32
          %sub3A = arith.constant 10 : i32
          %sub3A_394 = arith.subi %add3A_393, %sub3A : i32
          %mul3A_395 = arith.constant 64 : i32
          %mul3A_396 = arith.muli %sub3A_394, %mul3A_395 : i32
          %add3A_397 = arith.addi %mul3A_2, %mul3A_396 : i32
          %dma_wait3A_398 = arith.constant 0 : i32
          %dma_wait3A_399 = tpu.memref_slice %arg4[%add3A_397, %dma_wait3A_398] : memref<204800x128xf32, #tpu.memory_space<hbm>> -> memref<64x128xf32, #tpu.memory_space<hbm>>
          %dma_wait3A_400 = arith.constant 0 : i32
          %dma_wait3A_401 = tpu.memref_slice %arg4[%add3A_397, %dma_wait3A_400] : memref<204800x128xf32, #tpu.memory_space<hbm>> -> memref<64x128xf32, #tpu.memory_space<hbm>>
          tpu.wait_dma2 semaphore(%arg31 : memref<!tpu.dma_semaphore, #tpu.memory_space<semaphore_mem>>) src(%arg11 : memref<64x128xf32, #tpu.memory_space<vmem>>) dst(%dma_wait3A_401 : memref<64x128xf32, #tpu.memory_space<hbm>>)
        } else {
        }
        %add3A_384 = arith.constant 2 : i32
        %add3A_385 = arith.addi %add3A_171, %add3A_384 : i32
        %dma_start3A_386 = arith.constant 0 : i32
        %dma_start3A_387 = tpu.memref_slice %arg5[%add3A_385, %dma_start3A_386] : memref<100x64xi32, #tpu.memory_space<vmem>> -> memref<1x64xi32, #tpu.memory_space<vmem>>
        %dma_start3A_388 = tpu.memref_squeeze %dma_start3A_387 : memref<1x64xi32, #tpu.memory_space<vmem>> -> memref<64xi32, #tpu.memory_space<vmem>>
        %dma_start3A_389 = arith.constant 0 : i32
        %dma_start3A_390 = arith.constant 0 : i32
        %dma_start3A_391 = tpu.memref_slice %arg3[%dma_start3A_389, %dma_start3A_390] : memref<100000x128xf32, #tpu.memory_space<hbm>> -> memref<100000x128xf32, #tpu.memory_space<hbm>>
        tpu.enqueue_indirect_dma source(%dma_start3A_391 : memref<100000x128xf32, #tpu.memory_space<hbm>>) target(%arg11 : memref<64x128xf32, #tpu.memory_space<vmem>>) offsets(%dma_start3A_388 : memref<64xi32, #tpu.memory_space<vmem>>) semaphore(%arg21 : memref<!tpu.dma_semaphore, #tpu.memory_space<semaphore_mem>>)
      } else {
      }
      %scan3A_185 = arith.constant 0 : i32
      %scan3A_186 = arith.constant 0 : i32
      %scan3A_187 = arith.constant 64 : i32
      %scan3A_188 = arith.addi %scan3A_186, %scan3A_187 : i32
      %scan3A_189 = arith.constant 1 : i32
      scf.for %scan3A_378 = %scan3A_186 to %scan3A_188 step %scan3A_189  : i32 {
        %get3A = arith.index_cast %scan3A_378 : i32 to index
        %get3A_379 = arith.constant 0 : index
        %get3A_380 = tpu.vector_load %arg9[%get3A, %get3A_379] {strides = array<i32>} : memref<64x128xf32, #tpu.memory_space<vmem>>, vector<1x16xf32>,
        %get3A_381 = vector.shape_cast %get3A_380 : vector<1x16xf32> to vector<16xf32>
        %mul3A_382 = arith.constant 11.3137083 : f32
        %mul3A_383 = vector.broadcast %mul3A_382 : f32 to vector<16xf32>
        %mul3A_384 = arith.mulf %get3A_381, %mul3A_383 : vector<16xf32>
        %swap3A = arith.index_cast %scan3A_378 : i32 to index
        %swap3A_385 = arith.constant 0 : index
        %swap3A_386 = tpu.vector_load %arg9[%swap3A, %swap3A_385] {strides = array<i32>} : memref<64x128xf32, #tpu.memory_space<vmem>>, vector<1x16xf32>,
        %swap3A_387 = vector.shape_cast %swap3A_386 : vector<1x16xf32> to vector<16xf32>
        %swap3A_388 = vector.shape_cast %mul3A_384 : vector<16xf32> to vector<1x16xf32>
        tpu.vector_store %arg9[%swap3A, %swap3A_385], %swap3A_388 {strides = array<i32>} : memref<64x128xf32, #tpu.memory_space<vmem>>, vector<1x16xf32>,
        %get3A_389 = arith.index_cast %scan3A_378 : i32 to index
        %get3A_390 = arith.constant 16 : index
        %get3A_391 = tpu.vector_load %arg9[%get3A_389, %get3A_390] {strides = array<i32>} : memref<64x128xf32, #tpu.memory_space<vmem>>, vector<1x16xf32>,
        %get3A_392 = vector.shape_cast %get3A_391 : vector<1x16xf32> to vector<16xf32>
        %mul3A_393 = arith.constant 11.3137083 : f32
        %mul3A_394 = vector.broadcast %mul3A_393 : f32 to vector<16xf32>
        %mul3A_395 = arith.mulf %get3A_392, %mul3A_394 : vector<16xf32>
        %swap3A_396 = arith.index_cast %scan3A_378 : i32 to index
        %swap3A_397 = arith.constant 16 : index
        %swap3A_398 = tpu.vector_load %arg9[%swap3A_396, %swap3A_397] {strides = array<i32>} : memref<64x128xf32, #tpu.memory_space<vmem>>, vector<1x16xf32>,
        %swap3A_399 = vector.shape_cast %swap3A_398 : vector<1x16xf32> to vector<16xf32>
        %swap3A_400 = vector.shape_cast %mul3A_395 : vector<16xf32> to vector<1x16xf32>
        tpu.vector_store %arg9[%swap3A_396, %swap3A_397], %swap3A_400 {strides = array<i32>} : memref<64x128xf32, #tpu.memory_space<vmem>>, vector<1x16xf32>,
        %get3A_401 = arith.index_cast %scan3A_378 : i32 to index
        %get3A_402 = arith.constant 32 : index
        %get3A_403 = tpu.vector_load %arg9[%get3A_401, %get3A_402] {strides = array<i32>} : memref<64x128xf32, #tpu.memory_space<vmem>>, vector<1x16xf32>,
        %get3A_404 = vector.shape_cast %get3A_403 : vector<1x16xf32> to vector<16xf32>
        %mul3A_405 = arith.constant 11.3137083 : f32
        %mul3A_406 = vector.broadcast %mul3A_405 : f32 to vector<16xf32>
        %mul3A_407 = arith.mulf %get3A_404, %mul3A_406 : vector<16xf32>
        %swap3A_408 = arith.index_cast %scan3A_378 : i32 to index
        %swap3A_409 = arith.constant 32 : index
        %swap3A_410 = tpu.vector_load %arg9[%swap3A_408, %swap3A_409] {strides = array<i32>} : memref<64x128xf32, #tpu.memory_space<vmem>>, vector<1x16xf32>,
        %swap3A_411 = vector.shape_cast %swap3A_410 : vector<1x16xf32> to vector<16xf32>
        %swap3A_412 = vector.shape_cast %mul3A_407 : vector<16xf32> to vector<1x16xf32>
        tpu.vector_store %arg9[%swap3A_408, %swap3A_409], %swap3A_412 {strides = array<i32>} : memref<64x128xf32, #tpu.memory_space<vmem>>, vector<1x16xf32>,
        %get3A_413 = arith.index_cast %scan3A_378 : i32 to index
        %get3A_414 = arith.constant 48 : index
        %get3A_415 = tpu.vector_load %arg9[%get3A_413, %get3A_414] {strides = array<i32>} : memref<64x128xf32, #tpu.memory_space<vmem>>, vector<1x16xf32>,
        %get3A_416 = vector.shape_cast %get3A_415 : vector<1x16xf32> to vector<16xf32>
        %mul3A_417 = arith.constant 11.3137083 : f32
        %mul3A_418 = vector.broadcast %mul3A_417 : f32 to vector<16xf32>
        %mul3A_419 = arith.mulf %get3A_416, %mul3A_418 : vector<16xf32>
        %swap3A_420 = arith.index_cast %scan3A_378 : i32 to index
        %swap3A_421 = arith.constant 48 : index
        %swap3A_422 = tpu.vector_load %arg9[%swap3A_420, %swap3A_421] {strides = array<i32>} : memref<64x128xf32, #tpu.memory_space<vmem>>, vector<1x16xf32>,
        %swap3A_423 = vector.shape_cast %swap3A_422 : vector<1x16xf32> to vector<16xf32>
        %swap3A_424 = vector.shape_cast %mul3A_419 : vector<16xf32> to vector<1x16xf32>
        tpu.vector_store %arg9[%swap3A_420, %swap3A_421], %swap3A_424 {strides = array<i32>} : memref<64x128xf32, #tpu.memory_space<vmem>>, vector<1x16xf32>,
        %get3A_425 = arith.index_cast %scan3A_378 : i32 to index
        %get3A_426 = arith.constant 64 : index
        %get3A_427 = tpu.vector_load %arg9[%get3A_425, %get3A_426] {strides = array<i32>} : memref<64x128xf32, #tpu.memory_space<vmem>>, vector<1x16xf32>,
        %get3A_428 = vector.shape_cast %get3A_427 : vector<1x16xf32> to vector<16xf32>
        %mul3A_429 = arith.constant 11.3137083 : f32
        %mul3A_430 = vector.broadcast %mul3A_429 : f32 to vector<16xf32>
        %mul3A_431 = arith.mulf %get3A_428, %mul3A_430 : vector<16xf32>
        %swap3A_432 = arith.index_cast %scan3A_378 : i32 to index
        %swap3A_433 = arith.constant 64 : index
        %swap3A_434 = tpu.vector_load %arg9[%swap3A_432, %swap3A_433] {strides = array<i32>} : memref<64x128xf32, #tpu.memory_space<vmem>>, vector<1x16xf32>,
        %swap3A_435 = vector.shape_cast %swap3A_434 : vector<1x16xf32> to vector<16xf32>
        %swap3A_436 = vector.shape_cast %mul3A_431 : vector<16xf32> to vector<1x16xf32>
        tpu.vector_store %arg9[%swap3A_432, %swap3A_433], %swap3A_436 {strides = array<i32>} : memref<64x128xf32, #tpu.memory_space<vmem>>, vector<1x16xf32>,
        %get3A_437 = arith.index_cast %scan3A_378 : i32 to index
        %get3A_438 = arith.constant 80 : index
        %get3A_439 = tpu.vector_load %arg9[%get3A_437, %get3A_438] {strides = array<i32>} : memref<64x128xf32, #tpu.memory_space<vmem>>, vector<1x16xf32>,
        %get3A_440 = vector.shape_cast %get3A_439 : vector<1x16xf32> to vector<16xf32>
        %mul3A_441 = arith.constant 11.3137083 : f32
        %mul3A_442 = vector.broadcast %mul3A_441 : f32 to vector<16xf32>
        %mul3A_443 = arith.mulf %get3A_440, %mul3A_442 : vector<16xf32>
        %swap3A_444 = arith.index_cast %scan3A_378 : i32 to index
        %swap3A_445 = arith.constant 80 : index
        %swap3A_446 = tpu.vector_load %arg9[%swap3A_444, %swap3A_445] {strides = array<i32>} : memref<64x128xf32, #tpu.memory_space<vmem>>, vector<1x16xf32>,
        %swap3A_447 = vector.shape_cast %swap3A_446 : vector<1x16xf32> to vector<16xf32>
        %swap3A_448 = vector.shape_cast %mul3A_443 : vector<16xf32> to vector<1x16xf32>
        tpu.vector_store %arg9[%swap3A_444, %swap3A_445], %swap3A_448 {strides = array<i32>} : memref<64x128xf32, #tpu.memory_space<vmem>>, vector<1x16xf32>,
        %get3A_449 = arith.index_cast %scan3A_378 : i32 to index
        %get3A_450 = arith.constant 96 : index
        %get3A_451 = tpu.vector_load %arg9[%get3A_449, %get3A_450] {strides = array<i32>} : memref<64x128xf32, #tpu.memory_space<vmem>>, vector<1x16xf32>,
        %get3A_452 = vector.shape_cast %get3A_451 : vector<1x16xf32> to vector<16xf32>
        %mul3A_453 = arith.constant 11.3137083 : f32
        %mul3A_454 = vector.broadcast %mul3A_453 : f32 to vector<16xf32>
        %mul3A_455 = arith.mulf %get3A_452, %mul3A_454 : vector<16xf32>
        %swap3A_456 = arith.index_cast %scan3A_378 : i32 to index
        %swap3A_457 = arith.constant 96 : index
        %swap3A_458 = tpu.vector_load %arg9[%swap3A_456, %swap3A_457] {strides = array<i32>} : memref<64x128xf32, #tpu.memory_space<vmem>>, vector<1x16xf32>,
        %swap3A_459 = vector.shape_cast %swap3A_458 : vector<1x16xf32> to vector<16xf32>
        %swap3A_460 = vector.shape_cast %mul3A_455 : vector<16xf32> to vector<1x16xf32>
        tpu.vector_store %arg9[%swap3A_456, %swap3A_457], %swap3A_460 {strides = array<i32>} : memref<64x128xf32, #tpu.memory_space<vmem>>, vector<1x16xf32>,
        %get3A_461 = arith.index_cast %scan3A_378 : i32 to index
        %get3A_462 = arith.constant 112 : index
        %get3A_463 = tpu.vector_load %arg9[%get3A_461, %get3A_462] {strides = array<i32>} : memref<64x128xf32, #tpu.memory_space<vmem>>, vector<1x16xf32>,
        %get3A_464 = vector.shape_cast %get3A_463 : vector<1x16xf32> to vector<16xf32>
        %mul3A_465 = arith.constant 11.3137083 : f32
        %mul3A_466 = vector.broadcast %mul3A_465 : f32 to vector<16xf32>
        %mul3A_467 = arith.mulf %get3A_464, %mul3A_466 : vector<16xf32>
        %swap3A_468 = arith.index_cast %scan3A_378 : i32 to index
        %swap3A_469 = arith.constant 112 : index
        %swap3A_470 = tpu.vector_load %arg9[%swap3A_468, %swap3A_469] {strides = array<i32>} : memref<64x128xf32, #tpu.memory_space<vmem>>, vector<1x16xf32>,
        %swap3A_471 = vector.shape_cast %swap3A_470 : vector<1x16xf32> to vector<16xf32>
        %swap3A_472 = vector.shape_cast %mul3A_467 : vector<16xf32> to vector<1x16xf32>
        tpu.vector_store %arg9[%swap3A_468, %swap3A_469], %swap3A_472 {strides = array<i32>} : memref<64x128xf32, #tpu.memory_space<vmem>>, vector<1x16xf32>,
      }
      %scan3A_190 = arith.constant 64 : i32
      %mul3A_191 = arith.constant 64 : i32
      %mul3A_192 = arith.muli %add3A_171, %mul3A_191 : i32
      %add3A_193 = arith.addi %mul3A_2, %mul3A_192 : i32
      %dma_start3A_194 = arith.constant 0 : i32
      %dma_start3A_195 = tpu.memref_slice %arg4[%add3A_193, %dma_start3A_194] : memref<204800x128xf32, #tpu.memory_space<hbm>> -> memref<64x128xf32, #tpu.memory_space<hbm>>
      %dma_start3A_196 = arith.constant 0 : i32
      %dma_start3A_197 = tpu.memref_slice %arg4[%add3A_193, %dma_start3A_196] : memref<204800x128xf32, #tpu.memory_space<hbm>> -> memref<64x128xf32, #tpu.memory_space<hbm>>
      tpu.enqueue_dma source(%arg9 : memref<64x128xf32, #tpu.memory_space<vmem>>) target(%dma_start3A_197 : memref<64x128xf32, #tpu.memory_space<hbm>>) target_semaphore(%arg29 : memref<!tpu.dma_semaphore, #tpu.memory_space<semaphore_mem>>)
      %mul3A_198 = arith.constant 10 : i32
      %mul3A_199 = arith.muli %scan3A_80, %mul3A_198 : i32
      %add3A_200 = arith.constant 4 : i32
      %add3A_201 = arith.addi %mul3A_199, %add3A_200 : i32
      %dma_wait3A_202 = arith.constant 0 : i32
      %dma_wait3A_203 = arith.constant 0 : i32
      %dma_wait3A_204 = tpu.memref_slice %arg3[%dma_wait3A_202, %dma_wait3A_203] : memref<100000x128xf32, #tpu.memory_space<hbm>> -> memref<64x128xf32, #tpu.memory_space<hbm>>
      %dma_wait3A_205 = arith.constant 0 : i32
      %dma_wait3A_206 = arith.constant 0 : i32
      %dma_wait3A_207 = tpu.memref_slice %arg3[%dma_wait3A_205, %dma_wait3A_206] : memref<100000x128xf32, #tpu.memory_space<hbm>> -> memref<64x128xf32, #tpu.memory_space<hbm>>
      tpu.wait_dma2 semaphore(%arg20 : memref<!tpu.dma_semaphore, #tpu.memory_space<semaphore_mem>>) src(%dma_wait3A_207 : memref<64x128xf32, #tpu.memory_space<hbm>>) dst(%arg10 : memref<64x128xf32, #tpu.memory_space<vmem>>)
      %add3A_208 = arith.constant 2 : i32
      %add3A_209 = arith.addi %add3A_201, %add3A_208 : i32
      %lt3A_210 = arith.constant 100 : i32
      %lt3A_211 = arith.cmpi slt, %add3A_209, %lt3A_210 : i32
      %convert_element_type3A_212 = arith.extui %lt3A_211 : i1 to i32
      %cond3A_213 = arith.constant 0 : i32
      %cond3A_214 = arith.cmpi ne, %convert_element_type3A_212, %cond3A_213 : i32
      scf.if %cond3A_214 {
        %add3A_378 = arith.constant 2 : i32
        %add3A_379 = arith.addi %add3A_201, %add3A_378 : i32
        %ge3A = arith.constant 10 : i32
        %ge3A_380 = arith.cmpi sge, %add3A_379, %ge3A : i32
        %convert_element_type3A_381 = arith.extui %ge3A_380 : i1 to i32
        %cond3A_382 = arith.constant 0 : i32
        %cond3A_383 = arith.cmpi ne, %convert_element_type3A_381, %cond3A_382 : i32
        scf.if %cond3A_383 {
          %add3A_392 = arith.constant 2 : i32
          %add3A_393 = arith.addi %add3A_201, %add3A_392 : i32
          %sub3A = arith.constant 10 : i32
          %sub3A_394 = arith.subi %add3A_393, %sub3A : i32
          %mul3A_395 = arith.constant 64 : i32
          %mul3A_396 = arith.muli %sub3A_394, %mul3A_395 : i32
          %add3A_397 = arith.addi %mul3A_2, %mul3A_396 : i32
          %dma_wait3A_398 = arith.constant 0 : i32
          %dma_wait3A_399 = tpu.memref_slice %arg4[%add3A_397, %dma_wait3A_398] : memref<204800x128xf32, #tpu.memory_space<hbm>> -> memref<64x128xf32, #tpu.memory_space<hbm>>
          %dma_wait3A_400 = arith.constant 0 : i32
          %dma_wait3A_401 = tpu.memref_slice %arg4[%add3A_397, %dma_wait3A_400] : memref<204800x128xf32, #tpu.memory_space<hbm>> -> memref<64x128xf32, #tpu.memory_space<hbm>>
          tpu.wait_dma2 semaphore(%arg32 : memref<!tpu.dma_semaphore, #tpu.memory_space<semaphore_mem>>) src(%arg12 : memref<64x128xf32, #tpu.memory_space<vmem>>) dst(%dma_wait3A_401 : memref<64x128xf32, #tpu.memory_space<hbm>>)
        } else {
        }
        %add3A_384 = arith.constant 2 : i32
        %add3A_385 = arith.addi %add3A_201, %add3A_384 : i32
        %dma_start3A_386 = arith.constant 0 : i32
        %dma_start3A_387 = tpu.memref_slice %arg5[%add3A_385, %dma_start3A_386] : memref<100x64xi32, #tpu.memory_space<vmem>> -> memref<1x64xi32, #tpu.memory_space<vmem>>
        %dma_start3A_388 = tpu.memref_squeeze %dma_start3A_387 : memref<1x64xi32, #tpu.memory_space<vmem>> -> memref<64xi32, #tpu.memory_space<vmem>>
        %dma_start3A_389 = arith.constant 0 : i32
        %dma_start3A_390 = arith.constant 0 : i32
        %dma_start3A_391 = tpu.memref_slice %arg3[%dma_start3A_389, %dma_start3A_390] : memref<100000x128xf32, #tpu.memory_space<hbm>> -> memref<100000x128xf32, #tpu.memory_space<hbm>>
        tpu.enqueue_indirect_dma source(%dma_start3A_391 : memref<100000x128xf32, #tpu.memory_space<hbm>>) target(%arg12 : memref<64x128xf32, #tpu.memory_space<vmem>>) offsets(%dma_start3A_388 : memref<64xi32, #tpu.memory_space<vmem>>) semaphore(%arg22 : memref<!tpu.dma_semaphore, #tpu.memory_space<semaphore_mem>>)
      } else {
      }
      %scan3A_215 = arith.constant 0 : i32
      %scan3A_216 = arith.constant 0 : i32
      %scan3A_217 = arith.constant 64 : i32
      %scan3A_218 = arith.addi %scan3A_216, %scan3A_217 : i32
      %scan3A_219 = arith.constant 1 : i32
      scf.for %scan3A_378 = %scan3A_216 to %scan3A_218 step %scan3A_219  : i32 {
        %get3A = arith.index_cast %scan3A_378 : i32 to index
        %get3A_379 = arith.constant 0 : index
        %get3A_380 = tpu.vector_load %arg10[%get3A, %get3A_379] {strides = array<i32>} : memref<64x128xf32, #tpu.memory_space<vmem>>, vector<1x16xf32>,
        %get3A_381 = vector.shape_cast %get3A_380 : vector<1x16xf32> to vector<16xf32>
        %mul3A_382 = arith.constant 11.3137083 : f32
        %mul3A_383 = vector.broadcast %mul3A_382 : f32 to vector<16xf32>
        %mul3A_384 = arith.mulf %get3A_381, %mul3A_383 : vector<16xf32>
        %swap3A = arith.index_cast %scan3A_378 : i32 to index
        %swap3A_385 = arith.constant 0 : index
        %swap3A_386 = tpu.vector_load %arg10[%swap3A, %swap3A_385] {strides = array<i32>} : memref<64x128xf32, #tpu.memory_space<vmem>>, vector<1x16xf32>,
        %swap3A_387 = vector.shape_cast %swap3A_386 : vector<1x16xf32> to vector<16xf32>
        %swap3A_388 = vector.shape_cast %mul3A_384 : vector<16xf32> to vector<1x16xf32>
        tpu.vector_store %arg10[%swap3A, %swap3A_385], %swap3A_388 {strides = array<i32>} : memref<64x128xf32, #tpu.memory_space<vmem>>, vector<1x16xf32>,
        %get3A_389 = arith.index_cast %scan3A_378 : i32 to index
        %get3A_390 = arith.constant 16 : index
        %get3A_391 = tpu.vector_load %arg10[%get3A_389, %get3A_390] {strides = array<i32>} : memref<64x128xf32, #tpu.memory_space<vmem>>, vector<1x16xf32>,
        %get3A_392 = vector.shape_cast %get3A_391 : vector<1x16xf32> to vector<16xf32>
        %mul3A_393 = arith.constant 11.3137083 : f32
        %mul3A_394 = vector.broadcast %mul3A_393 : f32 to vector<16xf32>
        %mul3A_395 = arith.mulf %get3A_392, %mul3A_394 : vector<16xf32>
        %swap3A_396 = arith.index_cast %scan3A_378 : i32 to index
        %swap3A_397 = arith.constant 16 : index
        %swap3A_398 = tpu.vector_load %arg10[%swap3A_396, %swap3A_397] {strides = array<i32>} : memref<64x128xf32, #tpu.memory_space<vmem>>, vector<1x16xf32>,
        %swap3A_399 = vector.shape_cast %swap3A_398 : vector<1x16xf32> to vector<16xf32>
        %swap3A_400 = vector.shape_cast %mul3A_395 : vector<16xf32> to vector<1x16xf32>
        tpu.vector_store %arg10[%swap3A_396, %swap3A_397], %swap3A_400 {strides = array<i32>} : memref<64x128xf32, #tpu.memory_space<vmem>>, vector<1x16xf32>,
        %get3A_401 = arith.index_cast %scan3A_378 : i32 to index
        %get3A_402 = arith.constant 32 : index
        %get3A_403 = tpu.vector_load %arg10[%get3A_401, %get3A_402] {strides = array<i32>} : memref<64x128xf32, #tpu.memory_space<vmem>>, vector<1x16xf32>,
        %get3A_404 = vector.shape_cast %get3A_403 : vector<1x16xf32> to vector<16xf32>
        %mul3A_405 = arith.constant 11.3137083 : f32
        %mul3A_406 = vector.broadcast %mul3A_405 : f32 to vector<16xf32>
        %mul3A_407 = arith.mulf %get3A_404, %mul3A_406 : vector<16xf32>
        %swap3A_408 = arith.index_cast %scan3A_378 : i32 to index
        %swap3A_409 = arith.constant 32 : index
        %swap3A_410 = tpu.vector_load %arg10[%swap3A_408, %swap3A_409] {strides = array<i32>} : memref<64x128xf32, #tpu.memory_space<vmem>>, vector<1x16xf32>,
        %swap3A_411 = vector.shape_cast %swap3A_410 : vector<1x16xf32> to vector<16xf32>
        %swap3A_412 = vector.shape_cast %mul3A_407 : vector<16xf32> to vector<1x16xf32>
        tpu.vector_store %arg10[%swap3A_408, %swap3A_409], %swap3A_412 {strides = array<i32>} : memref<64x128xf32, #tpu.memory_space<vmem>>, vector<1x16xf32>,
        %get3A_413 = arith.index_cast %scan3A_378 : i32 to index
        %get3A_414 = arith.constant 48 : index
        %get3A_415 = tpu.vector_load %arg10[%get3A_413, %get3A_414] {strides = array<i32>} : memref<64x128xf32, #tpu.memory_space<vmem>>, vector<1x16xf32>,
        %get3A_416 = vector.shape_cast %get3A_415 : vector<1x16xf32> to vector<16xf32>
        %mul3A_417 = arith.constant 11.3137083 : f32
        %mul3A_418 = vector.broadcast %mul3A_417 : f32 to vector<16xf32>
        %mul3A_419 = arith.mulf %get3A_416, %mul3A_418 : vector<16xf32>
        %swap3A_420 = arith.index_cast %scan3A_378 : i32 to index
        %swap3A_421 = arith.constant 48 : index
        %swap3A_422 = tpu.vector_load %arg10[%swap3A_420, %swap3A_421] {strides = array<i32>} : memref<64x128xf32, #tpu.memory_space<vmem>>, vector<1x16xf32>,
        %swap3A_423 = vector.shape_cast %swap3A_422 : vector<1x16xf32> to vector<16xf32>
        %swap3A_424 = vector.shape_cast %mul3A_419 : vector<16xf32> to vector<1x16xf32>
        tpu.vector_store %arg10[%swap3A_420, %swap3A_421], %swap3A_424 {strides = array<i32>} : memref<64x128xf32, #tpu.memory_space<vmem>>, vector<1x16xf32>,
        %get3A_425 = arith.index_cast %scan3A_378 : i32 to index
        %get3A_426 = arith.constant 64 : index
        %get3A_427 = tpu.vector_load %arg10[%get3A_425, %get3A_426] {strides = array<i32>} : memref<64x128xf32, #tpu.memory_space<vmem>>, vector<1x16xf32>,
        %get3A_428 = vector.shape_cast %get3A_427 : vector<1x16xf32> to vector<16xf32>
        %mul3A_429 = arith.constant 11.3137083 : f32
        %mul3A_430 = vector.broadcast %mul3A_429 : f32 to vector<16xf32>
        %mul3A_431 = arith.mulf %get3A_428, %mul3A_430 : vector<16xf32>
        %swap3A_432 = arith.index_cast %scan3A_378 : i32 to index
        %swap3A_433 = arith.constant 64 : index
        %swap3A_434 = tpu.vector_load %arg10[%swap3A_432, %swap3A_433] {strides = array<i32>} : memref<64x128xf32, #tpu.memory_space<vmem>>, vector<1x16xf32>,
        %swap3A_435 = vector.shape_cast %swap3A_434 : vector<1x16xf32> to vector<16xf32>
        %swap3A_436 = vector.shape_cast %mul3A_431 : vector<16xf32> to vector<1x16xf32>
        tpu.vector_store %arg10[%swap3A_432, %swap3A_433], %swap3A_436 {strides = array<i32>} : memref<64x128xf32, #tpu.memory_space<vmem>>, vector<1x16xf32>,
        %get3A_437 = arith.index_cast %scan3A_378 : i32 to index
        %get3A_438 = arith.constant 80 : index
        %get3A_439 = tpu.vector_load %arg10[%get3A_437, %get3A_438] {strides = array<i32>} : memref<64x128xf32, #tpu.memory_space<vmem>>, vector<1x16xf32>,
        %get3A_440 = vector.shape_cast %get3A_439 : vector<1x16xf32> to vector<16xf32>
        %mul3A_441 = arith.constant 11.3137083 : f32
        %mul3A_442 = vector.broadcast %mul3A_441 : f32 to vector<16xf32>
        %mul3A_443 = arith.mulf %get3A_440, %mul3A_442 : vector<16xf32>
        %swap3A_444 = arith.index_cast %scan3A_378 : i32 to index
        %swap3A_445 = arith.constant 80 : index
        %swap3A_446 = tpu.vector_load %arg10[%swap3A_444, %swap3A_445] {strides = array<i32>} : memref<64x128xf32, #tpu.memory_space<vmem>>, vector<1x16xf32>,
        %swap3A_447 = vector.shape_cast %swap3A_446 : vector<1x16xf32> to vector<16xf32>
        %swap3A_448 = vector.shape_cast %mul3A_443 : vector<16xf32> to vector<1x16xf32>
        tpu.vector_store %arg10[%swap3A_444, %swap3A_445], %swap3A_448 {strides = array<i32>} : memref<64x128xf32, #tpu.memory_space<vmem>>, vector<1x16xf32>,
        %get3A_449 = arith.index_cast %scan3A_378 : i32 to index
        %get3A_450 = arith.constant 96 : index
        %get3A_451 = tpu.vector_load %arg10[%get3A_449, %get3A_450] {strides = array<i32>} : memref<64x128xf32, #tpu.memory_space<vmem>>, vector<1x16xf32>,
        %get3A_452 = vector.shape_cast %get3A_451 : vector<1x16xf32> to vector<16xf32>
        %mul3A_453 = arith.constant 11.3137083 : f32
        %mul3A_454 = vector.broadcast %mul3A_453 : f32 to vector<16xf32>
        %mul3A_455 = arith.mulf %get3A_452, %mul3A_454 : vector<16xf32>
        %swap3A_456 = arith.index_cast %scan3A_378 : i32 to index
        %swap3A_457 = arith.constant 96 : index
        %swap3A_458 = tpu.vector_load %arg10[%swap3A_456, %swap3A_457] {strides = array<i32>} : memref<64x128xf32, #tpu.memory_space<vmem>>, vector<1x16xf32>,
        %swap3A_459 = vector.shape_cast %swap3A_458 : vector<1x16xf32> to vector<16xf32>
        %swap3A_460 = vector.shape_cast %mul3A_455 : vector<16xf32> to vector<1x16xf32>
        tpu.vector_store %arg10[%swap3A_456, %swap3A_457], %swap3A_460 {strides = array<i32>} : memref<64x128xf32, #tpu.memory_space<vmem>>, vector<1x16xf32>,
        %get3A_461 = arith.index_cast %scan3A_378 : i32 to index
        %get3A_462 = arith.constant 112 : index
        %get3A_463 = tpu.vector_load %arg10[%get3A_461, %get3A_462] {strides = array<i32>} : memref<64x128xf32, #tpu.memory_space<vmem>>, vector<1x16xf32>,
        %get3A_464 = vector.shape_cast %get3A_463 : vector<1x16xf32> to vector<16xf32>
        %mul3A_465 = arith.constant 11.3137083 : f32
        %mul3A_466 = vector.broadcast %mul3A_465 : f32 to vector<16xf32>
        %mul3A_467 = arith.mulf %get3A_464, %mul3A_466 : vector<16xf32>
        %swap3A_468 = arith.index_cast %scan3A_378 : i32 to index
        %swap3A_469 = arith.constant 112 : index
        %swap3A_470 = tpu.vector_load %arg10[%swap3A_468, %swap3A_469] {strides = array<i32>} : memref<64x128xf32, #tpu.memory_space<vmem>>, vector<1x16xf32>,
        %swap3A_471 = vector.shape_cast %swap3A_470 : vector<1x16xf32> to vector<16xf32>
        %swap3A_472 = vector.shape_cast %mul3A_467 : vector<16xf32> to vector<1x16xf32>
        tpu.vector_store %arg10[%swap3A_468, %swap3A_469], %swap3A_472 {strides = array<i32>} : memref<64x128xf32, #tpu.memory_space<vmem>>, vector<1x16xf32>,
      }
      %scan3A_220 = arith.constant 64 : i32
      %mul3A_221 = arith.constant 64 : i32
      %mul3A_222 = arith.muli %add3A_201, %mul3A_221 : i32
      %add3A_223 = arith.addi %mul3A_2, %mul3A_222 : i32
      %dma_start3A_224 = arith.constant 0 : i32
      %dma_start3A_225 = tpu.memref_slice %arg4[%add3A_223, %dma_start3A_224] : memref<204800x128xf32, #tpu.memory_space<hbm>> -> memref<64x128xf32, #tpu.memory_space<hbm>>
      %dma_start3A_226 = arith.constant 0 : i32
      %dma_start3A_227 = tpu.memref_slice %arg4[%add3A_223, %dma_start3A_226] : memref<204800x128xf32, #tpu.memory_space<hbm>> -> memref<64x128xf32, #tpu.memory_space<hbm>>
      tpu.enqueue_dma source(%arg10 : memref<64x128xf32, #tpu.memory_space<vmem>>) target(%dma_start3A_227 : memref<64x128xf32, #tpu.memory_space<hbm>>) target_semaphore(%arg30 : memref<!tpu.dma_semaphore, #tpu.memory_space<semaphore_mem>>)
      %mul3A_228 = arith.constant 10 : i32
      %mul3A_229 = arith.muli %scan3A_80, %mul3A_228 : i32
      %add3A_230 = arith.constant 5 : i32
      %add3A_231 = arith.addi %mul3A_229, %add3A_230 : i32
      %dma_wait3A_232 = arith.constant 0 : i32
      %dma_wait3A_233 = arith.constant 0 : i32
      %dma_wait3A_234 = tpu.memref_slice %arg3[%dma_wait3A_232, %dma_wait3A_233] : memref<100000x128xf32, #tpu.memory_space<hbm>> -> memref<64x128xf32, #tpu.memory_space<hbm>>
      %dma_wait3A_235 = arith.constant 0 : i32
      %dma_wait3A_236 = arith.constant 0 : i32
      %dma_wait3A_237 = tpu.memref_slice %arg3[%dma_wait3A_235, %dma_wait3A_236] : memref<100000x128xf32, #tpu.memory_space<hbm>> -> memref<64x128xf32, #tpu.memory_space<hbm>>
      tpu.wait_dma2 semaphore(%arg21 : memref<!tpu.dma_semaphore, #tpu.memory_space<semaphore_mem>>) src(%dma_wait3A_237 : memref<64x128xf32, #tpu.memory_space<hbm>>) dst(%arg11 : memref<64x128xf32, #tpu.memory_space<vmem>>)
      %add3A_238 = arith.constant 2 : i32
      %add3A_239 = arith.addi %add3A_231, %add3A_238 : i32
      %lt3A_240 = arith.constant 100 : i32
      %lt3A_241 = arith.cmpi slt, %add3A_239, %lt3A_240 : i32
      %convert_element_type3A_242 = arith.extui %lt3A_241 : i1 to i32
      %cond3A_243 = arith.constant 0 : i32
      %cond3A_244 = arith.cmpi ne, %convert_element_type3A_242, %cond3A_243 : i32
      scf.if %cond3A_244 {
        %add3A_378 = arith.constant 2 : i32
        %add3A_379 = arith.addi %add3A_231, %add3A_378 : i32
        %ge3A = arith.constant 10 : i32
        %ge3A_380 = arith.cmpi sge, %add3A_379, %ge3A : i32
        %convert_element_type3A_381 = arith.extui %ge3A_380 : i1 to i32
        %cond3A_382 = arith.constant 0 : i32
        %cond3A_383 = arith.cmpi ne, %convert_element_type3A_381, %cond3A_382 : i32
        scf.if %cond3A_383 {
          %add3A_392 = arith.constant 2 : i32
          %add3A_393 = arith.addi %add3A_231, %add3A_392 : i32
          %sub3A = arith.constant 10 : i32
          %sub3A_394 = arith.subi %add3A_393, %sub3A : i32
          %mul3A_395 = arith.constant 64 : i32
          %mul3A_396 = arith.muli %sub3A_394, %mul3A_395 : i32
          %add3A_397 = arith.addi %mul3A_2, %mul3A_396 : i32
          %dma_wait3A_398 = arith.constant 0 : i32
          %dma_wait3A_399 = tpu.memref_slice %arg4[%add3A_397, %dma_wait3A_398] : memref<204800x128xf32, #tpu.memory_space<hbm>> -> memref<64x128xf32, #tpu.memory_space<hbm>>
          %dma_wait3A_400 = arith.constant 0 : i32
          %dma_wait3A_401 = tpu.memref_slice %arg4[%add3A_397, %dma_wait3A_400] : memref<204800x128xf32, #tpu.memory_space<hbm>> -> memref<64x128xf32, #tpu.memory_space<hbm>>
          tpu.wait_dma2 semaphore(%arg33 : memref<!tpu.dma_semaphore, #tpu.memory_space<semaphore_mem>>) src(%arg13 : memref<64x128xf32, #tpu.memory_space<vmem>>) dst(%dma_wait3A_401 : memref<64x128xf32, #tpu.memory_space<hbm>>)
        } else {
        }
        %add3A_384 = arith.constant 2 : i32
        %add3A_385 = arith.addi %add3A_231, %add3A_384 : i32
        %dma_start3A_386 = arith.constant 0 : i32
        %dma_start3A_387 = tpu.memref_slice %arg5[%add3A_385, %dma_start3A_386] : memref<100x64xi32, #tpu.memory_space<vmem>> -> memref<1x64xi32, #tpu.memory_space<vmem>>
        %dma_start3A_388 = tpu.memref_squeeze %dma_start3A_387 : memref<1x64xi32, #tpu.memory_space<vmem>> -> memref<64xi32, #tpu.memory_space<vmem>>
        %dma_start3A_389 = arith.constant 0 : i32
        %dma_start3A_390 = arith.constant 0 : i32
        %dma_start3A_391 = tpu.memref_slice %arg3[%dma_start3A_389, %dma_start3A_390] : memref<100000x128xf32, #tpu.memory_space<hbm>> -> memref<100000x128xf32, #tpu.memory_space<hbm>>
        tpu.enqueue_indirect_dma source(%dma_start3A_391 : memref<100000x128xf32, #tpu.memory_space<hbm>>) target(%arg13 : memref<64x128xf32, #tpu.memory_space<vmem>>) offsets(%dma_start3A_388 : memref<64xi32, #tpu.memory_space<vmem>>) semaphore(%arg23 : memref<!tpu.dma_semaphore, #tpu.memory_space<semaphore_mem>>)
      } else {
      }
      %scan3A_245 = arith.constant 0 : i32
      %scan3A_246 = arith.constant 0 : i32
      %scan3A_247 = arith.constant 64 : i32
      %scan3A_248 = arith.addi %scan3A_246, %scan3A_247 : i32
      %scan3A_249 = arith.constant 1 : i32
      scf.for %scan3A_378 = %scan3A_246 to %scan3A_248 step %scan3A_249  : i32 {
        %get3A = arith.index_cast %scan3A_378 : i32 to index
        %get3A_379 = arith.constant 0 : index
        %get3A_380 = tpu.vector_load %arg11[%get3A, %get3A_379] {strides = array<i32>} : memref<64x128xf32, #tpu.memory_space<vmem>>, vector<1x16xf32>,
        %get3A_381 = vector.shape_cast %get3A_380 : vector<1x16xf32> to vector<16xf32>
        %mul3A_382 = arith.constant 11.3137083 : f32
        %mul3A_383 = vector.broadcast %mul3A_382 : f32 to vector<16xf32>
        %mul3A_384 = arith.mulf %get3A_381, %mul3A_383 : vector<16xf32>
        %swap3A = arith.index_cast %scan3A_378 : i32 to index
        %swap3A_385 = arith.constant 0 : index
        %swap3A_386 = tpu.vector_load %arg11[%swap3A, %swap3A_385] {strides = array<i32>} : memref<64x128xf32, #tpu.memory_space<vmem>>, vector<1x16xf32>,
        %swap3A_387 = vector.shape_cast %swap3A_386 : vector<1x16xf32> to vector<16xf32>
        %swap3A_388 = vector.shape_cast %mul3A_384 : vector<16xf32> to vector<1x16xf32>
        tpu.vector_store %arg11[%swap3A, %swap3A_385], %swap3A_388 {strides = array<i32>} : memref<64x128xf32, #tpu.memory_space<vmem>>, vector<1x16xf32>,
        %get3A_389 = arith.index_cast %scan3A_378 : i32 to index
        %get3A_390 = arith.constant 16 : index
        %get3A_391 = tpu.vector_load %arg11[%get3A_389, %get3A_390] {strides = array<i32>} : memref<64x128xf32, #tpu.memory_space<vmem>>, vector<1x16xf32>,
        %get3A_392 = vector.shape_cast %get3A_391 : vector<1x16xf32> to vector<16xf32>
        %mul3A_393 = arith.constant 11.3137083 : f32
        %mul3A_394 = vector.broadcast %mul3A_393 : f32 to vector<16xf32>
        %mul3A_395 = arith.mulf %get3A_392, %mul3A_394 : vector<16xf32>
        %swap3A_396 = arith.index_cast %scan3A_378 : i32 to index
        %swap3A_397 = arith.constant 16 : index
        %swap3A_398 = tpu.vector_load %arg11[%swap3A_396, %swap3A_397] {strides = array<i32>} : memref<64x128xf32, #tpu.memory_space<vmem>>, vector<1x16xf32>,
        %swap3A_399 = vector.shape_cast %swap3A_398 : vector<1x16xf32> to vector<16xf32>
        %swap3A_400 = vector.shape_cast %mul3A_395 : vector<16xf32> to vector<1x16xf32>
        tpu.vector_store %arg11[%swap3A_396, %swap3A_397], %swap3A_400 {strides = array<i32>} : memref<64x128xf32, #tpu.memory_space<vmem>>, vector<1x16xf32>,
        %get3A_401 = arith.index_cast %scan3A_378 : i32 to index
        %get3A_402 = arith.constant 32 : index
        %get3A_403 = tpu.vector_load %arg11[%get3A_401, %get3A_402] {strides = array<i32>} : memref<64x128xf32, #tpu.memory_space<vmem>>, vector<1x16xf32>,
        %get3A_404 = vector.shape_cast %get3A_403 : vector<1x16xf32> to vector<16xf32>
        %mul3A_405 = arith.constant 11.3137083 : f32
        %mul3A_406 = vector.broadcast %mul3A_405 : f32 to vector<16xf32>
        %mul3A_407 = arith.mulf %get3A_404, %mul3A_406 : vector<16xf32>
        %swap3A_408 = arith.index_cast %scan3A_378 : i32 to index
        %swap3A_409 = arith.constant 32 : index
        %swap3A_410 = tpu.vector_load %arg11[%swap3A_408, %swap3A_409] {strides = array<i32>} : memref<64x128xf32, #tpu.memory_space<vmem>>, vector<1x16xf32>,
        %swap3A_411 = vector.shape_cast %swap3A_410 : vector<1x16xf32> to vector<16xf32>
        %swap3A_412 = vector.shape_cast %mul3A_407 : vector<16xf32> to vector<1x16xf32>
        tpu.vector_store %arg11[%swap3A_408, %swap3A_409], %swap3A_412 {strides = array<i32>} : memref<64x128xf32, #tpu.memory_space<vmem>>, vector<1x16xf32>,
        %get3A_413 = arith.index_cast %scan3A_378 : i32 to index
        %get3A_414 = arith.constant 48 : index
        %get3A_415 = tpu.vector_load %arg11[%get3A_413, %get3A_414] {strides = array<i32>} : memref<64x128xf32, #tpu.memory_space<vmem>>, vector<1x16xf32>,
        %get3A_416 = vector.shape_cast %get3A_415 : vector<1x16xf32> to vector<16xf32>
        %mul3A_417 = arith.constant 11.3137083 : f32
        %mul3A_418 = vector.broadcast %mul3A_417 : f32 to vector<16xf32>
        %mul3A_419 = arith.mulf %get3A_416, %mul3A_418 : vector<16xf32>
        %swap3A_420 = arith.index_cast %scan3A_378 : i32 to index
        %swap3A_421 = arith.constant 48 : index
        %swap3A_422 = tpu.vector_load %arg11[%swap3A_420, %swap3A_421] {strides = array<i32>} : memref<64x128xf32, #tpu.memory_space<vmem>>, vector<1x16xf32>,
        %swap3A_423 = vector.shape_cast %swap3A_422 : vector<1x16xf32> to vector<16xf32>
        %swap3A_424 = vector.shape_cast %mul3A_419 : vector<16xf32> to vector<1x16xf32>
        tpu.vector_store %arg11[%swap3A_420, %swap3A_421], %swap3A_424 {strides = array<i32>} : memref<64x128xf32, #tpu.memory_space<vmem>>, vector<1x16xf32>,
        %get3A_425 = arith.index_cast %scan3A_378 : i32 to index
        %get3A_426 = arith.constant 64 : index
        %get3A_427 = tpu.vector_load %arg11[%get3A_425, %get3A_426] {strides = array<i32>} : memref<64x128xf32, #tpu.memory_space<vmem>>, vector<1x16xf32>,
        %get3A_428 = vector.shape_cast %get3A_427 : vector<1x16xf32> to vector<16xf32>
        %mul3A_429 = arith.constant 11.3137083 : f32
        %mul3A_430 = vector.broadcast %mul3A_429 : f32 to vector<16xf32>
        %mul3A_431 = arith.mulf %get3A_428, %mul3A_430 : vector<16xf32>
        %swap3A_432 = arith.index_cast %scan3A_378 : i32 to index
        %swap3A_433 = arith.constant 64 : index
        %swap3A_434 = tpu.vector_load %arg11[%swap3A_432, %swap3A_433] {strides = array<i32>} : memref<64x128xf32, #tpu.memory_space<vmem>>, vector<1x16xf32>,
        %swap3A_435 = vector.shape_cast %swap3A_434 : vector<1x16xf32> to vector<16xf32>
        %swap3A_436 = vector.shape_cast %mul3A_431 : vector<16xf32> to vector<1x16xf32>
        tpu.vector_store %arg11[%swap3A_432, %swap3A_433], %swap3A_436 {strides = array<i32>} : memref<64x128xf32, #tpu.memory_space<vmem>>, vector<1x16xf32>,
        %get3A_437 = arith.index_cast %scan3A_378 : i32 to index
        %get3A_438 = arith.constant 80 : index
        %get3A_439 = tpu.vector_load %arg11[%get3A_437, %get3A_438] {strides = array<i32>} : memref<64x128xf32, #tpu.memory_space<vmem>>, vector<1x16xf32>,
        %get3A_440 = vector.shape_cast %get3A_439 : vector<1x16xf32> to vector<16xf32>
        %mul3A_441 = arith.constant 11.3137083 : f32
        %mul3A_442 = vector.broadcast %mul3A_441 : f32 to vector<16xf32>
        %mul3A_443 = arith.mulf %get3A_440, %mul3A_442 : vector<16xf32>
        %swap3A_444 = arith.index_cast %scan3A_378 : i32 to index
        %swap3A_445 = arith.constant 80 : index
        %swap3A_446 = tpu.vector_load %arg11[%swap3A_444, %swap3A_445] {strides = array<i32>} : memref<64x128xf32, #tpu.memory_space<vmem>>, vector<1x16xf32>,
        %swap3A_447 = vector.shape_cast %swap3A_446 : vector<1x16xf32> to vector<16xf32>
        %swap3A_448 = vector.shape_cast %mul3A_443 : vector<16xf32> to vector<1x16xf32>
        tpu.vector_store %arg11[%swap3A_444, %swap3A_445], %swap3A_448 {strides = array<i32>} : memref<64x128xf32, #tpu.memory_space<vmem>>, vector<1x16xf32>,
        %get3A_449 = arith.index_cast %scan3A_378 : i32 to index
        %get3A_450 = arith.constant 96 : index
        %get3A_451 = tpu.vector_load %arg11[%get3A_449, %get3A_450] {strides = array<i32>} : memref<64x128xf32, #tpu.memory_space<vmem>>, vector<1x16xf32>,
        %get3A_452 = vector.shape_cast %get3A_451 : vector<1x16xf32> to vector<16xf32>
        %mul3A_453 = arith.constant 11.3137083 : f32
        %mul3A_454 = vector.broadcast %mul3A_453 : f32 to vector<16xf32>
        %mul3A_455 = arith.mulf %get3A_452, %mul3A_454 : vector<16xf32>
        %swap3A_456 = arith.index_cast %scan3A_378 : i32 to index
        %swap3A_457 = arith.constant 96 : index
        %swap3A_458 = tpu.vector_load %arg11[%swap3A_456, %swap3A_457] {strides = array<i32>} : memref<64x128xf32, #tpu.memory_space<vmem>>, vector<1x16xf32>,
        %swap3A_459 = vector.shape_cast %swap3A_458 : vector<1x16xf32> to vector<16xf32>
        %swap3A_460 = vector.shape_cast %mul3A_455 : vector<16xf32> to vector<1x16xf32>
        tpu.vector_store %arg11[%swap3A_456, %swap3A_457], %swap3A_460 {strides = array<i32>} : memref<64x128xf32, #tpu.memory_space<vmem>>, vector<1x16xf32>,
        %get3A_461 = arith.index_cast %scan3A_378 : i32 to index
        %get3A_462 = arith.constant 112 : index
        %get3A_463 = tpu.vector_load %arg11[%get3A_461, %get3A_462] {strides = array<i32>} : memref<64x128xf32, #tpu.memory_space<vmem>>, vector<1x16xf32>,
        %get3A_464 = vector.shape_cast %get3A_463 : vector<1x16xf32> to vector<16xf32>
        %mul3A_465 = arith.constant 11.3137083 : f32
        %mul3A_466 = vector.broadcast %mul3A_465 : f32 to vector<16xf32>
        %mul3A_467 = arith.mulf %get3A_464, %mul3A_466 : vector<16xf32>
        %swap3A_468 = arith.index_cast %scan3A_378 : i32 to index
        %swap3A_469 = arith.constant 112 : index
        %swap3A_470 = tpu.vector_load %arg11[%swap3A_468, %swap3A_469] {strides = array<i32>} : memref<64x128xf32, #tpu.memory_space<vmem>>, vector<1x16xf32>,
        %swap3A_471 = vector.shape_cast %swap3A_470 : vector<1x16xf32> to vector<16xf32>
        %swap3A_472 = vector.shape_cast %mul3A_467 : vector<16xf32> to vector<1x16xf32>
        tpu.vector_store %arg11[%swap3A_468, %swap3A_469], %swap3A_472 {strides = array<i32>} : memref<64x128xf32, #tpu.memory_space<vmem>>, vector<1x16xf32>,
      }
      %scan3A_250 = arith.constant 64 : i32
      %mul3A_251 = arith.constant 64 : i32
      %mul3A_252 = arith.muli %add3A_231, %mul3A_251 : i32
      %add3A_253 = arith.addi %mul3A_2, %mul3A_252 : i32
      %dma_start3A_254 = arith.constant 0 : i32
      %dma_start3A_255 = tpu.memref_slice %arg4[%add3A_253, %dma_start3A_254] : memref<204800x128xf32, #tpu.memory_space<hbm>> -> memref<64x128xf32, #tpu.memory_space<hbm>>
      %dma_start3A_256 = arith.constant 0 : i32
      %dma_start3A_257 = tpu.memref_slice %arg4[%add3A_253, %dma_start3A_256] : memref<204800x128xf32, #tpu.memory_space<hbm>> -> memref<64x128xf32, #tpu.memory_space<hbm>>
      tpu.enqueue_dma source(%arg11 : memref<64x128xf32, #tpu.memory_space<vmem>>) target(%dma_start3A_257 : memref<64x128xf32, #tpu.memory_space<hbm>>) target_semaphore(%arg31 : memref<!tpu.dma_semaphore, #tpu.memory_space<semaphore_mem>>)
      %mul3A_258 = arith.constant 10 : i32
      %mul3A_259 = arith.muli %scan3A_80, %mul3A_258 : i32
      %add3A_260 = arith.constant 6 : i32
      %add3A_261 = arith.addi %mul3A_259, %add3A_260 : i32
      %dma_wait3A_262 = arith.constant 0 : i32
      %dma_wait3A_263 = arith.constant 0 : i32
      %dma_wait3A_264 = tpu.memref_slice %arg3[%dma_wait3A_262, %dma_wait3A_263] : memref<100000x128xf32, #tpu.memory_space<hbm>> -> memref<64x128xf32, #tpu.memory_space<hbm>>
      %dma_wait3A_265 = arith.constant 0 : i32
      %dma_wait3A_266 = arith.constant 0 : i32
      %dma_wait3A_267 = tpu.memref_slice %arg3[%dma_wait3A_265, %dma_wait3A_266] : memref<100000x128xf32, #tpu.memory_space<hbm>> -> memref<64x128xf32, #tpu.memory_space<hbm>>
      tpu.wait_dma2 semaphore(%arg22 : memref<!tpu.dma_semaphore, #tpu.memory_space<semaphore_mem>>) src(%dma_wait3A_267 : memref<64x128xf32, #tpu.memory_space<hbm>>) dst(%arg12 : memref<64x128xf32, #tpu.memory_space<vmem>>)
      %add3A_268 = arith.constant 2 : i32
      %add3A_269 = arith.addi %add3A_261, %add3A_268 : i32
      %lt3A_270 = arith.constant 100 : i32
      %lt3A_271 = arith.cmpi slt, %add3A_269, %lt3A_270 : i32
      %convert_element_type3A_272 = arith.extui %lt3A_271 : i1 to i32
      %cond3A_273 = arith.constant 0 : i32
      %cond3A_274 = arith.cmpi ne, %convert_element_type3A_272, %cond3A_273 : i32
      scf.if %cond3A_274 {
        %add3A_378 = arith.constant 2 : i32
        %add3A_379 = arith.addi %add3A_261, %add3A_378 : i32
        %ge3A = arith.constant 10 : i32
        %ge3A_380 = arith.cmpi sge, %add3A_379, %ge3A : i32
        %convert_element_type3A_381 = arith.extui %ge3A_380 : i1 to i32
        %cond3A_382 = arith.constant 0 : i32
        %cond3A_383 = arith.cmpi ne, %convert_element_type3A_381, %cond3A_382 : i32
        scf.if %cond3A_383 {
          %add3A_392 = arith.constant 2 : i32
          %add3A_393 = arith.addi %add3A_261, %add3A_392 : i32
          %sub3A = arith.constant 10 : i32
          %sub3A_394 = arith.subi %add3A_393, %sub3A : i32
          %mul3A_395 = arith.constant 64 : i32
          %mul3A_396 = arith.muli %sub3A_394, %mul3A_395 : i32
          %add3A_397 = arith.addi %mul3A_2, %mul3A_396 : i32
          %dma_wait3A_398 = arith.constant 0 : i32
          %dma_wait3A_399 = tpu.memref_slice %arg4[%add3A_397, %dma_wait3A_398] : memref<204800x128xf32, #tpu.memory_space<hbm>> -> memref<64x128xf32, #tpu.memory_space<hbm>>
          %dma_wait3A_400 = arith.constant 0 : i32
          %dma_wait3A_401 = tpu.memref_slice %arg4[%add3A_397, %dma_wait3A_400] : memref<204800x128xf32, #tpu.memory_space<hbm>> -> memref<64x128xf32, #tpu.memory_space<hbm>>
          tpu.wait_dma2 semaphore(%arg34 : memref<!tpu.dma_semaphore, #tpu.memory_space<semaphore_mem>>) src(%arg14 : memref<64x128xf32, #tpu.memory_space<vmem>>) dst(%dma_wait3A_401 : memref<64x128xf32, #tpu.memory_space<hbm>>)
        } else {
        }
        %add3A_384 = arith.constant 2 : i32
        %add3A_385 = arith.addi %add3A_261, %add3A_384 : i32
        %dma_start3A_386 = arith.constant 0 : i32
        %dma_start3A_387 = tpu.memref_slice %arg5[%add3A_385, %dma_start3A_386] : memref<100x64xi32, #tpu.memory_space<vmem>> -> memref<1x64xi32, #tpu.memory_space<vmem>>
        %dma_start3A_388 = tpu.memref_squeeze %dma_start3A_387 : memref<1x64xi32, #tpu.memory_space<vmem>> -> memref<64xi32, #tpu.memory_space<vmem>>
        %dma_start3A_389 = arith.constant 0 : i32
        %dma_start3A_390 = arith.constant 0 : i32
        %dma_start3A_391 = tpu.memref_slice %arg3[%dma_start3A_389, %dma_start3A_390] : memref<100000x128xf32, #tpu.memory_space<hbm>> -> memref<100000x128xf32, #tpu.memory_space<hbm>>
        tpu.enqueue_indirect_dma source(%dma_start3A_391 : memref<100000x128xf32, #tpu.memory_space<hbm>>) target(%arg14 : memref<64x128xf32, #tpu.memory_space<vmem>>) offsets(%dma_start3A_388 : memref<64xi32, #tpu.memory_space<vmem>>) semaphore(%arg24 : memref<!tpu.dma_semaphore, #tpu.memory_space<semaphore_mem>>)
      } else {
      }
      %scan3A_275 = arith.constant 0 : i32
      %scan3A_276 = arith.constant 0 : i32
      %scan3A_277 = arith.constant 64 : i32
      %scan3A_278 = arith.addi %scan3A_276, %scan3A_277 : i32
      %scan3A_279 = arith.constant 1 : i32
      scf.for %scan3A_378 = %scan3A_276 to %scan3A_278 step %scan3A_279  : i32 {
        %get3A = arith.index_cast %scan3A_378 : i32 to index
        %get3A_379 = arith.constant 0 : index
        %get3A_380 = tpu.vector_load %arg12[%get3A, %get3A_379] {strides = array<i32>} : memref<64x128xf32, #tpu.memory_space<vmem>>, vector<1x16xf32>,
        %get3A_381 = vector.shape_cast %get3A_380 : vector<1x16xf32> to vector<16xf32>
        %mul3A_382 = arith.constant 11.3137083 : f32
        %mul3A_383 = vector.broadcast %mul3A_382 : f32 to vector<16xf32>
        %mul3A_384 = arith.mulf %get3A_381, %mul3A_383 : vector<16xf32>
        %swap3A = arith.index_cast %scan3A_378 : i32 to index
        %swap3A_385 = arith.constant 0 : index
        %swap3A_386 = tpu.vector_load %arg12[%swap3A, %swap3A_385] {strides = array<i32>} : memref<64x128xf32, #tpu.memory_space<vmem>>, vector<1x16xf32>,
        %swap3A_387 = vector.shape_cast %swap3A_386 : vector<1x16xf32> to vector<16xf32>
        %swap3A_388 = vector.shape_cast %mul3A_384 : vector<16xf32> to vector<1x16xf32>
        tpu.vector_store %arg12[%swap3A, %swap3A_385], %swap3A_388 {strides = array<i32>} : memref<64x128xf32, #tpu.memory_space<vmem>>, vector<1x16xf32>,
        %get3A_389 = arith.index_cast %scan3A_378 : i32 to index
        %get3A_390 = arith.constant 16 : index
        %get3A_391 = tpu.vector_load %arg12[%get3A_389, %get3A_390] {strides = array<i32>} : memref<64x128xf32, #tpu.memory_space<vmem>>, vector<1x16xf32>,
        %get3A_392 = vector.shape_cast %get3A_391 : vector<1x16xf32> to vector<16xf32>
        %mul3A_393 = arith.constant 11.3137083 : f32
        %mul3A_394 = vector.broadcast %mul3A_393 : f32 to vector<16xf32>
        %mul3A_395 = arith.mulf %get3A_392, %mul3A_394 : vector<16xf32>
        %swap3A_396 = arith.index_cast %scan3A_378 : i32 to index
        %swap3A_397 = arith.constant 16 : index
        %swap3A_398 = tpu.vector_load %arg12[%swap3A_396, %swap3A_397] {strides = array<i32>} : memref<64x128xf32, #tpu.memory_space<vmem>>, vector<1x16xf32>,
        %swap3A_399 = vector.shape_cast %swap3A_398 : vector<1x16xf32> to vector<16xf32>
        %swap3A_400 = vector.shape_cast %mul3A_395 : vector<16xf32> to vector<1x16xf32>
        tpu.vector_store %arg12[%swap3A_396, %swap3A_397], %swap3A_400 {strides = array<i32>} : memref<64x128xf32, #tpu.memory_space<vmem>>, vector<1x16xf32>,
        %get3A_401 = arith.index_cast %scan3A_378 : i32 to index
        %get3A_402 = arith.constant 32 : index
        %get3A_403 = tpu.vector_load %arg12[%get3A_401, %get3A_402] {strides = array<i32>} : memref<64x128xf32, #tpu.memory_space<vmem>>, vector<1x16xf32>,
        %get3A_404 = vector.shape_cast %get3A_403 : vector<1x16xf32> to vector<16xf32>
        %mul3A_405 = arith.constant 11.3137083 : f32
        %mul3A_406 = vector.broadcast %mul3A_405 : f32 to vector<16xf32>
        %mul3A_407 = arith.mulf %get3A_404, %mul3A_406 : vector<16xf32>
        %swap3A_408 = arith.index_cast %scan3A_378 : i32 to index
        %swap3A_409 = arith.constant 32 : index
        %swap3A_410 = tpu.vector_load %arg12[%swap3A_408, %swap3A_409] {strides = array<i32>} : memref<64x128xf32, #tpu.memory_space<vmem>>, vector<1x16xf32>,
        %swap3A_411 = vector.shape_cast %swap3A_410 : vector<1x16xf32> to vector<16xf32>
        %swap3A_412 = vector.shape_cast %mul3A_407 : vector<16xf32> to vector<1x16xf32>
        tpu.vector_store %arg12[%swap3A_408, %swap3A_409], %swap3A_412 {strides = array<i32>} : memref<64x128xf32, #tpu.memory_space<vmem>>, vector<1x16xf32>,
        %get3A_413 = arith.index_cast %scan3A_378 : i32 to index
        %get3A_414 = arith.constant 48 : index
        %get3A_415 = tpu.vector_load %arg12[%get3A_413, %get3A_414] {strides = array<i32>} : memref<64x128xf32, #tpu.memory_space<vmem>>, vector<1x16xf32>,
        %get3A_416 = vector.shape_cast %get3A_415 : vector<1x16xf32> to vector<16xf32>
        %mul3A_417 = arith.constant 11.3137083 : f32
        %mul3A_418 = vector.broadcast %mul3A_417 : f32 to vector<16xf32>
        %mul3A_419 = arith.mulf %get3A_416, %mul3A_418 : vector<16xf32>
        %swap3A_420 = arith.index_cast %scan3A_378 : i32 to index
        %swap3A_421 = arith.constant 48 : index
        %swap3A_422 = tpu.vector_load %arg12[%swap3A_420, %swap3A_421] {strides = array<i32>} : memref<64x128xf32, #tpu.memory_space<vmem>>, vector<1x16xf32>,
        %swap3A_423 = vector.shape_cast %swap3A_422 : vector<1x16xf32> to vector<16xf32>
        %swap3A_424 = vector.shape_cast %mul3A_419 : vector<16xf32> to vector<1x16xf32>
        tpu.vector_store %arg12[%swap3A_420, %swap3A_421], %swap3A_424 {strides = array<i32>} : memref<64x128xf32, #tpu.memory_space<vmem>>, vector<1x16xf32>,
        %get3A_425 = arith.index_cast %scan3A_378 : i32 to index
        %get3A_426 = arith.constant 64 : index
        %get3A_427 = tpu.vector_load %arg12[%get3A_425, %get3A_426] {strides = array<i32>} : memref<64x128xf32, #tpu.memory_space<vmem>>, vector<1x16xf32>,
        %get3A_428 = vector.shape_cast %get3A_427 : vector<1x16xf32> to vector<16xf32>
        %mul3A_429 = arith.constant 11.3137083 : f32
        %mul3A_430 = vector.broadcast %mul3A_429 : f32 to vector<16xf32>
        %mul3A_431 = arith.mulf %get3A_428, %mul3A_430 : vector<16xf32>
        %swap3A_432 = arith.index_cast %scan3A_378 : i32 to index
        %swap3A_433 = arith.constant 64 : index
        %swap3A_434 = tpu.vector_load %arg12[%swap3A_432, %swap3A_433] {strides = array<i32>} : memref<64x128xf32, #tpu.memory_space<vmem>>, vector<1x16xf32>,
        %swap3A_435 = vector.shape_cast %swap3A_434 : vector<1x16xf32> to vector<16xf32>
        %swap3A_436 = vector.shape_cast %mul3A_431 : vector<16xf32> to vector<1x16xf32>
        tpu.vector_store %arg12[%swap3A_432, %swap3A_433], %swap3A_436 {strides = array<i32>} : memref<64x128xf32, #tpu.memory_space<vmem>>, vector<1x16xf32>,
        %get3A_437 = arith.index_cast %scan3A_378 : i32 to index
        %get3A_438 = arith.constant 80 : index
        %get3A_439 = tpu.vector_load %arg12[%get3A_437, %get3A_438] {strides = array<i32>} : memref<64x128xf32, #tpu.memory_space<vmem>>, vector<1x16xf32>,
        %get3A_440 = vector.shape_cast %get3A_439 : vector<1x16xf32> to vector<16xf32>
        %mul3A_441 = arith.constant 11.3137083 : f32
        %mul3A_442 = vector.broadcast %mul3A_441 : f32 to vector<16xf32>
        %mul3A_443 = arith.mulf %get3A_440, %mul3A_442 : vector<16xf32>
        %swap3A_444 = arith.index_cast %scan3A_378 : i32 to index
        %swap3A_445 = arith.constant 80 : index
        %swap3A_446 = tpu.vector_load %arg12[%swap3A_444, %swap3A_445] {strides = array<i32>} : memref<64x128xf32, #tpu.memory_space<vmem>>, vector<1x16xf32>,
        %swap3A_447 = vector.shape_cast %swap3A_446 : vector<1x16xf32> to vector<16xf32>
        %swap3A_448 = vector.shape_cast %mul3A_443 : vector<16xf32> to vector<1x16xf32>
        tpu.vector_store %arg12[%swap3A_444, %swap3A_445], %swap3A_448 {strides = array<i32>} : memref<64x128xf32, #tpu.memory_space<vmem>>, vector<1x16xf32>,
        %get3A_449 = arith.index_cast %scan3A_378 : i32 to index
        %get3A_450 = arith.constant 96 : index
        %get3A_451 = tpu.vector_load %arg12[%get3A_449, %get3A_450] {strides = array<i32>} : memref<64x128xf32, #tpu.memory_space<vmem>>, vector<1x16xf32>,
        %get3A_452 = vector.shape_cast %get3A_451 : vector<1x16xf32> to vector<16xf32>
        %mul3A_453 = arith.constant 11.3137083 : f32
        %mul3A_454 = vector.broadcast %mul3A_453 : f32 to vector<16xf32>
        %mul3A_455 = arith.mulf %get3A_452, %mul3A_454 : vector<16xf32>
        %swap3A_456 = arith.index_cast %scan3A_378 : i32 to index
        %swap3A_457 = arith.constant 96 : index
        %swap3A_458 = tpu.vector_load %arg12[%swap3A_456, %swap3A_457] {strides = array<i32>} : memref<64x128xf32, #tpu.memory_space<vmem>>, vector<1x16xf32>,
        %swap3A_459 = vector.shape_cast %swap3A_458 : vector<1x16xf32> to vector<16xf32>
        %swap3A_460 = vector.shape_cast %mul3A_455 : vector<16xf32> to vector<1x16xf32>
        tpu.vector_store %arg12[%swap3A_456, %swap3A_457], %swap3A_460 {strides = array<i32>} : memref<64x128xf32, #tpu.memory_space<vmem>>, vector<1x16xf32>,
        %get3A_461 = arith.index_cast %scan3A_378 : i32 to index
        %get3A_462 = arith.constant 112 : index
        %get3A_463 = tpu.vector_load %arg12[%get3A_461, %get3A_462] {strides = array<i32>} : memref<64x128xf32, #tpu.memory_space<vmem>>, vector<1x16xf32>,
        %get3A_464 = vector.shape_cast %get3A_463 : vector<1x16xf32> to vector<16xf32>
        %mul3A_465 = arith.constant 11.3137083 : f32
        %mul3A_466 = vector.broadcast %mul3A_465 : f32 to vector<16xf32>
        %mul3A_467 = arith.mulf %get3A_464, %mul3A_466 : vector<16xf32>
        %swap3A_468 = arith.index_cast %scan3A_378 : i32 to index
        %swap3A_469 = arith.constant 112 : index
        %swap3A_470 = tpu.vector_load %arg12[%swap3A_468, %swap3A_469] {strides = array<i32>} : memref<64x128xf32, #tpu.memory_space<vmem>>, vector<1x16xf32>,
        %swap3A_471 = vector.shape_cast %swap3A_470 : vector<1x16xf32> to vector<16xf32>
        %swap3A_472 = vector.shape_cast %mul3A_467 : vector<16xf32> to vector<1x16xf32>
        tpu.vector_store %arg12[%swap3A_468, %swap3A_469], %swap3A_472 {strides = array<i32>} : memref<64x128xf32, #tpu.memory_space<vmem>>, vector<1x16xf32>,
      }
      %scan3A_280 = arith.constant 64 : i32
      %mul3A_281 = arith.constant 64 : i32
      %mul3A_282 = arith.muli %add3A_261, %mul3A_281 : i32
      %add3A_283 = arith.addi %mul3A_2, %mul3A_282 : i32
      %dma_start3A_284 = arith.constant 0 : i32
      %dma_start3A_285 = tpu.memref_slice %arg4[%add3A_283, %dma_start3A_284] : memref<204800x128xf32, #tpu.memory_space<hbm>> -> memref<64x128xf32, #tpu.memory_space<hbm>>
      %dma_start3A_286 = arith.constant 0 : i32
      %dma_start3A_287 = tpu.memref_slice %arg4[%add3A_283, %dma_start3A_286] : memref<204800x128xf32, #tpu.memory_space<hbm>> -> memref<64x128xf32, #tpu.memory_space<hbm>>
      tpu.enqueue_dma source(%arg12 : memref<64x128xf32, #tpu.memory_space<vmem>>) target(%dma_start3A_287 : memref<64x128xf32, #tpu.memory_space<hbm>>) target_semaphore(%arg32 : memref<!tpu.dma_semaphore, #tpu.memory_space<semaphore_mem>>)
      %mul3A_288 = arith.constant 10 : i32
      %mul3A_289 = arith.muli %scan3A_80, %mul3A_288 : i32
      %add3A_290 = arith.constant 7 : i32
      %add3A_291 = arith.addi %mul3A_289, %add3A_290 : i32
      %dma_wait3A_292 = arith.constant 0 : i32
      %dma_wait3A_293 = arith.constant 0 : i32
      %dma_wait3A_294 = tpu.memref_slice %arg3[%dma_wait3A_292, %dma_wait3A_293] : memref<100000x128xf32, #tpu.memory_space<hbm>> -> memref<64x128xf32, #tpu.memory_space<hbm>>
      %dma_wait3A_295 = arith.constant 0 : i32
      %dma_wait3A_296 = arith.constant 0 : i32
      %dma_wait3A_297 = tpu.memref_slice %arg3[%dma_wait3A_295, %dma_wait3A_296] : memref<100000x128xf32, #tpu.memory_space<hbm>> -> memref<64x128xf32, #tpu.memory_space<hbm>>
      tpu.wait_dma2 semaphore(%arg23 : memref<!tpu.dma_semaphore, #tpu.memory_space<semaphore_mem>>) src(%dma_wait3A_297 : memref<64x128xf32, #tpu.memory_space<hbm>>) dst(%arg13 : memref<64x128xf32, #tpu.memory_space<vmem>>)
      %add3A_298 = arith.constant 2 : i32
      %add3A_299 = arith.addi %add3A_291, %add3A_298 : i32
      %lt3A_300 = arith.constant 100 : i32
      %lt3A_301 = arith.cmpi slt, %add3A_299, %lt3A_300 : i32
      %convert_element_type3A_302 = arith.extui %lt3A_301 : i1 to i32
      %cond3A_303 = arith.constant 0 : i32
      %cond3A_304 = arith.cmpi ne, %convert_element_type3A_302, %cond3A_303 : i32
      scf.if %cond3A_304 {
        %add3A_378 = arith.constant 2 : i32
        %add3A_379 = arith.addi %add3A_291, %add3A_378 : i32
        %ge3A = arith.constant 10 : i32
        %ge3A_380 = arith.cmpi sge, %add3A_379, %ge3A : i32
        %convert_element_type3A_381 = arith.extui %ge3A_380 : i1 to i32
        %cond3A_382 = arith.constant 0 : i32
        %cond3A_383 = arith.cmpi ne, %convert_element_type3A_381, %cond3A_382 : i32
        scf.if %cond3A_383 {
          %add3A_392 = arith.constant 2 : i32
          %add3A_393 = arith.addi %add3A_291, %add3A_392 : i32
          %sub3A = arith.constant 10 : i32
          %sub3A_394 = arith.subi %add3A_393, %sub3A : i32
          %mul3A_395 = arith.constant 64 : i32
          %mul3A_396 = arith.muli %sub3A_394, %mul3A_395 : i32
          %add3A_397 = arith.addi %mul3A_2, %mul3A_396 : i32
          %dma_wait3A_398 = arith.constant 0 : i32
          %dma_wait3A_399 = tpu.memref_slice %arg4[%add3A_397, %dma_wait3A_398] : memref<204800x128xf32, #tpu.memory_space<hbm>> -> memref<64x128xf32, #tpu.memory_space<hbm>>
          %dma_wait3A_400 = arith.constant 0 : i32
          %dma_wait3A_401 = tpu.memref_slice %arg4[%add3A_397, %dma_wait3A_400] : memref<204800x128xf32, #tpu.memory_space<hbm>> -> memref<64x128xf32, #tpu.memory_space<hbm>>
          tpu.wait_dma2 semaphore(%arg35 : memref<!tpu.dma_semaphore, #tpu.memory_space<semaphore_mem>>) src(%arg15 : memref<64x128xf32, #tpu.memory_space<vmem>>) dst(%dma_wait3A_401 : memref<64x128xf32, #tpu.memory_space<hbm>>)
        } else {
        }
        %add3A_384 = arith.constant 2 : i32
        %add3A_385 = arith.addi %add3A_291, %add3A_384 : i32
        %dma_start3A_386 = arith.constant 0 : i32
        %dma_start3A_387 = tpu.memref_slice %arg5[%add3A_385, %dma_start3A_386] : memref<100x64xi32, #tpu.memory_space<vmem>> -> memref<1x64xi32, #tpu.memory_space<vmem>>
        %dma_start3A_388 = tpu.memref_squeeze %dma_start3A_387 : memref<1x64xi32, #tpu.memory_space<vmem>> -> memref<64xi32, #tpu.memory_space<vmem>>
        %dma_start3A_389 = arith.constant 0 : i32
        %dma_start3A_390 = arith.constant 0 : i32
        %dma_start3A_391 = tpu.memref_slice %arg3[%dma_start3A_389, %dma_start3A_390] : memref<100000x128xf32, #tpu.memory_space<hbm>> -> memref<100000x128xf32, #tpu.memory_space<hbm>>
        tpu.enqueue_indirect_dma source(%dma_start3A_391 : memref<100000x128xf32, #tpu.memory_space<hbm>>) target(%arg15 : memref<64x128xf32, #tpu.memory_space<vmem>>) offsets(%dma_start3A_388 : memref<64xi32, #tpu.memory_space<vmem>>) semaphore(%arg25 : memref<!tpu.dma_semaphore, #tpu.memory_space<semaphore_mem>>)
      } else {
      }
      %scan3A_305 = arith.constant 0 : i32
      %scan3A_306 = arith.constant 0 : i32
      %scan3A_307 = arith.constant 64 : i32
      %scan3A_308 = arith.addi %scan3A_306, %scan3A_307 : i32
      %scan3A_309 = arith.constant 1 : i32
      scf.for %scan3A_378 = %scan3A_306 to %scan3A_308 step %scan3A_309  : i32 {
        %get3A = arith.index_cast %scan3A_378 : i32 to index
        %get3A_379 = arith.constant 0 : index
        %get3A_380 = tpu.vector_load %arg13[%get3A, %get3A_379] {strides = array<i32>} : memref<64x128xf32, #tpu.memory_space<vmem>>, vector<1x16xf32>,
        %get3A_381 = vector.shape_cast %get3A_380 : vector<1x16xf32> to vector<16xf32>
        %mul3A_382 = arith.constant 11.3137083 : f32
        %mul3A_383 = vector.broadcast %mul3A_382 : f32 to vector<16xf32>
        %mul3A_384 = arith.mulf %get3A_381, %mul3A_383 : vector<16xf32>
        %swap3A = arith.index_cast %scan3A_378 : i32 to index
        %swap3A_385 = arith.constant 0 : index
        %swap3A_386 = tpu.vector_load %arg13[%swap3A, %swap3A_385] {strides = array<i32>} : memref<64x128xf32, #tpu.memory_space<vmem>>, vector<1x16xf32>,
        %swap3A_387 = vector.shape_cast %swap3A_386 : vector<1x16xf32> to vector<16xf32>
        %swap3A_388 = vector.shape_cast %mul3A_384 : vector<16xf32> to vector<1x16xf32>
        tpu.vector_store %arg13[%swap3A, %swap3A_385], %swap3A_388 {strides = array<i32>} : memref<64x128xf32, #tpu.memory_space<vmem>>, vector<1x16xf32>,
        %get3A_389 = arith.index_cast %scan3A_378 : i32 to index
        %get3A_390 = arith.constant 16 : index
        %get3A_391 = tpu.vector_load %arg13[%get3A_389, %get3A_390] {strides = array<i32>} : memref<64x128xf32, #tpu.memory_space<vmem>>, vector<1x16xf32>,
        %get3A_392 = vector.shape_cast %get3A_391 : vector<1x16xf32> to vector<16xf32>
        %mul3A_393 = arith.constant 11.3137083 : f32
        %mul3A_394 = vector.broadcast %mul3A_393 : f32 to vector<16xf32>
        %mul3A_395 = arith.mulf %get3A_392, %mul3A_394 : vector<16xf32>
        %swap3A_396 = arith.index_cast %scan3A_378 : i32 to index
        %swap3A_397 = arith.constant 16 : index
        %swap3A_398 = tpu.vector_load %arg13[%swap3A_396, %swap3A_397] {strides = array<i32>} : memref<64x128xf32, #tpu.memory_space<vmem>>, vector<1x16xf32>,
        %swap3A_399 = vector.shape_cast %swap3A_398 : vector<1x16xf32> to vector<16xf32>
        %swap3A_400 = vector.shape_cast %mul3A_395 : vector<16xf32> to vector<1x16xf32>
        tpu.vector_store %arg13[%swap3A_396, %swap3A_397], %swap3A_400 {strides = array<i32>} : memref<64x128xf32, #tpu.memory_space<vmem>>, vector<1x16xf32>,
        %get3A_401 = arith.index_cast %scan3A_378 : i32 to index
        %get3A_402 = arith.constant 32 : index
        %get3A_403 = tpu.vector_load %arg13[%get3A_401, %get3A_402] {strides = array<i32>} : memref<64x128xf32, #tpu.memory_space<vmem>>, vector<1x16xf32>,
        %get3A_404 = vector.shape_cast %get3A_403 : vector<1x16xf32> to vector<16xf32>
        %mul3A_405 = arith.constant 11.3137083 : f32
        %mul3A_406 = vector.broadcast %mul3A_405 : f32 to vector<16xf32>
        %mul3A_407 = arith.mulf %get3A_404, %mul3A_406 : vector<16xf32>
        %swap3A_408 = arith.index_cast %scan3A_378 : i32 to index
        %swap3A_409 = arith.constant 32 : index
        %swap3A_410 = tpu.vector_load %arg13[%swap3A_408, %swap3A_409] {strides = array<i32>} : memref<64x128xf32, #tpu.memory_space<vmem>>, vector<1x16xf32>,
        %swap3A_411 = vector.shape_cast %swap3A_410 : vector<1x16xf32> to vector<16xf32>
        %swap3A_412 = vector.shape_cast %mul3A_407 : vector<16xf32> to vector<1x16xf32>
        tpu.vector_store %arg13[%swap3A_408, %swap3A_409], %swap3A_412 {strides = array<i32>} : memref<64x128xf32, #tpu.memory_space<vmem>>, vector<1x16xf32>,
        %get3A_413 = arith.index_cast %scan3A_378 : i32 to index
        %get3A_414 = arith.constant 48 : index
        %get3A_415 = tpu.vector_load %arg13[%get3A_413, %get3A_414] {strides = array<i32>} : memref<64x128xf32, #tpu.memory_space<vmem>>, vector<1x16xf32>,
        %get3A_416 = vector.shape_cast %get3A_415 : vector<1x16xf32> to vector<16xf32>
        %mul3A_417 = arith.constant 11.3137083 : f32
        %mul3A_418 = vector.broadcast %mul3A_417 : f32 to vector<16xf32>
        %mul3A_419 = arith.mulf %get3A_416, %mul3A_418 : vector<16xf32>
        %swap3A_420 = arith.index_cast %scan3A_378 : i32 to index
        %swap3A_421 = arith.constant 48 : index
        %swap3A_422 = tpu.vector_load %arg13[%swap3A_420, %swap3A_421] {strides = array<i32>} : memref<64x128xf32, #tpu.memory_space<vmem>>, vector<1x16xf32>,
        %swap3A_423 = vector.shape_cast %swap3A_422 : vector<1x16xf32> to vector<16xf32>
        %swap3A_424 = vector.shape_cast %mul3A_419 : vector<16xf32> to vector<1x16xf32>
        tpu.vector_store %arg13[%swap3A_420, %swap3A_421], %swap3A_424 {strides = array<i32>} : memref<64x128xf32, #tpu.memory_space<vmem>>, vector<1x16xf32>,
        %get3A_425 = arith.index_cast %scan3A_378 : i32 to index
        %get3A_426 = arith.constant 64 : index
        %get3A_427 = tpu.vector_load %arg13[%get3A_425, %get3A_426] {strides = array<i32>} : memref<64x128xf32, #tpu.memory_space<vmem>>, vector<1x16xf32>,
        %get3A_428 = vector.shape_cast %get3A_427 : vector<1x16xf32> to vector<16xf32>
        %mul3A_429 = arith.constant 11.3137083 : f32
        %mul3A_430 = vector.broadcast %mul3A_429 : f32 to vector<16xf32>
        %mul3A_431 = arith.mulf %get3A_428, %mul3A_430 : vector<16xf32>
        %swap3A_432 = arith.index_cast %scan3A_378 : i32 to index
        %swap3A_433 = arith.constant 64 : index
        %swap3A_434 = tpu.vector_load %arg13[%swap3A_432, %swap3A_433] {strides = array<i32>} : memref<64x128xf32, #tpu.memory_space<vmem>>, vector<1x16xf32>,
        %swap3A_435 = vector.shape_cast %swap3A_434 : vector<1x16xf32> to vector<16xf32>
        %swap3A_436 = vector.shape_cast %mul3A_431 : vector<16xf32> to vector<1x16xf32>
        tpu.vector_store %arg13[%swap3A_432, %swap3A_433], %swap3A_436 {strides = array<i32>} : memref<64x128xf32, #tpu.memory_space<vmem>>, vector<1x16xf32>,
        %get3A_437 = arith.index_cast %scan3A_378 : i32 to index
        %get3A_438 = arith.constant 80 : index
        %get3A_439 = tpu.vector_load %arg13[%get3A_437, %get3A_438] {strides = array<i32>} : memref<64x128xf32, #tpu.memory_space<vmem>>, vector<1x16xf32>,
        %get3A_440 = vector.shape_cast %get3A_439 : vector<1x16xf32> to vector<16xf32>
        %mul3A_441 = arith.constant 11.3137083 : f32
        %mul3A_442 = vector.broadcast %mul3A_441 : f32 to vector<16xf32>
        %mul3A_443 = arith.mulf %get3A_440, %mul3A_442 : vector<16xf32>
        %swap3A_444 = arith.index_cast %scan3A_378 : i32 to index
        %swap3A_445 = arith.constant 80 : index
        %swap3A_446 = tpu.vector_load %arg13[%swap3A_444, %swap3A_445] {strides = array<i32>} : memref<64x128xf32, #tpu.memory_space<vmem>>, vector<1x16xf32>,
        %swap3A_447 = vector.shape_cast %swap3A_446 : vector<1x16xf32> to vector<16xf32>
        %swap3A_448 = vector.shape_cast %mul3A_443 : vector<16xf32> to vector<1x16xf32>
        tpu.vector_store %arg13[%swap3A_444, %swap3A_445], %swap3A_448 {strides = array<i32>} : memref<64x128xf32, #tpu.memory_space<vmem>>, vector<1x16xf32>,
        %get3A_449 = arith.index_cast %scan3A_378 : i32 to index
        %get3A_450 = arith.constant 96 : index
        %get3A_451 = tpu.vector_load %arg13[%get3A_449, %get3A_450] {strides = array<i32>} : memref<64x128xf32, #tpu.memory_space<vmem>>, vector<1x16xf32>,
        %get3A_452 = vector.shape_cast %get3A_451 : vector<1x16xf32> to vector<16xf32>
        %mul3A_453 = arith.constant 11.3137083 : f32
        %mul3A_454 = vector.broadcast %mul3A_453 : f32 to vector<16xf32>
        %mul3A_455 = arith.mulf %get3A_452, %mul3A_454 : vector<16xf32>
        %swap3A_456 = arith.index_cast %scan3A_378 : i32 to index
        %swap3A_457 = arith.constant 96 : index
        %swap3A_458 = tpu.vector_load %arg13[%swap3A_456, %swap3A_457] {strides = array<i32>} : memref<64x128xf32, #tpu.memory_space<vmem>>, vector<1x16xf32>,
        %swap3A_459 = vector.shape_cast %swap3A_458 : vector<1x16xf32> to vector<16xf32>
        %swap3A_460 = vector.shape_cast %mul3A_455 : vector<16xf32> to vector<1x16xf32>
        tpu.vector_store %arg13[%swap3A_456, %swap3A_457], %swap3A_460 {strides = array<i32>} : memref<64x128xf32, #tpu.memory_space<vmem>>, vector<1x16xf32>,
        %get3A_461 = arith.index_cast %scan3A_378 : i32 to index
        %get3A_462 = arith.constant 112 : index
        %get3A_463 = tpu.vector_load %arg13[%get3A_461, %get3A_462] {strides = array<i32>} : memref<64x128xf32, #tpu.memory_space<vmem>>, vector<1x16xf32>,
        %get3A_464 = vector.shape_cast %get3A_463 : vector<1x16xf32> to vector<16xf32>
        %mul3A_465 = arith.constant 11.3137083 : f32
        %mul3A_466 = vector.broadcast %mul3A_465 : f32 to vector<16xf32>
        %mul3A_467 = arith.mulf %get3A_464, %mul3A_466 : vector<16xf32>
        %swap3A_468 = arith.index_cast %scan3A_378 : i32 to index
        %swap3A_469 = arith.constant 112 : index
        %swap3A_470 = tpu.vector_load %arg13[%swap3A_468, %swap3A_469] {strides = array<i32>} : memref<64x128xf32, #tpu.memory_space<vmem>>, vector<1x16xf32>,
        %swap3A_471 = vector.shape_cast %swap3A_470 : vector<1x16xf32> to vector<16xf32>
        %swap3A_472 = vector.shape_cast %mul3A_467 : vector<16xf32> to vector<1x16xf32>
        tpu.vector_store %arg13[%swap3A_468, %swap3A_469], %swap3A_472 {strides = array<i32>} : memref<64x128xf32, #tpu.memory_space<vmem>>, vector<1x16xf32>,
      }
      %scan3A_310 = arith.constant 64 : i32
      %mul3A_311 = arith.constant 64 : i32
      %mul3A_312 = arith.muli %add3A_291, %mul3A_311 : i32
      %add3A_313 = arith.addi %mul3A_2, %mul3A_312 : i32
      %dma_start3A_314 = arith.constant 0 : i32
      %dma_start3A_315 = tpu.memref_slice %arg4[%add3A_313, %dma_start3A_314] : memref<204800x128xf32, #tpu.memory_space<hbm>> -> memref<64x128xf32, #tpu.memory_space<hbm>>
      %dma_start3A_316 = arith.constant 0 : i32
      %dma_start3A_317 = tpu.memref_slice %arg4[%add3A_313, %dma_start3A_316] : memref<204800x128xf32, #tpu.memory_space<hbm>> -> memref<64x128xf32, #tpu.memory_space<hbm>>
      tpu.enqueue_dma source(%arg13 : memref<64x128xf32, #tpu.memory_space<vmem>>) target(%dma_start3A_317 : memref<64x128xf32, #tpu.memory_space<hbm>>) target_semaphore(%arg33 : memref<!tpu.dma_semaphore, #tpu.memory_space<semaphore_mem>>)
      %mul3A_318 = arith.constant 10 : i32
      %mul3A_319 = arith.muli %scan3A_80, %mul3A_318 : i32
      %add3A_320 = arith.constant 8 : i32
      %add3A_321 = arith.addi %mul3A_319, %add3A_320 : i32
      %dma_wait3A_322 = arith.constant 0 : i32
      %dma_wait3A_323 = arith.constant 0 : i32
      %dma_wait3A_324 = tpu.memref_slice %arg3[%dma_wait3A_322, %dma_wait3A_323] : memref<100000x128xf32, #tpu.memory_space<hbm>> -> memref<64x128xf32, #tpu.memory_space<hbm>>
      %dma_wait3A_325 = arith.constant 0 : i32
      %dma_wait3A_326 = arith.constant 0 : i32
      %dma_wait3A_327 = tpu.memref_slice %arg3[%dma_wait3A_325, %dma_wait3A_326] : memref<100000x128xf32, #tpu.memory_space<hbm>> -> memref<64x128xf32, #tpu.memory_space<hbm>>
      tpu.wait_dma2 semaphore(%arg24 : memref<!tpu.dma_semaphore, #tpu.memory_space<semaphore_mem>>) src(%dma_wait3A_327 : memref<64x128xf32, #tpu.memory_space<hbm>>) dst(%arg14 : memref<64x128xf32, #tpu.memory_space<vmem>>)
      %add3A_328 = arith.constant 2 : i32
      %add3A_329 = arith.addi %add3A_321, %add3A_328 : i32
      %lt3A_330 = arith.constant 100 : i32
      %lt3A_331 = arith.cmpi slt, %add3A_329, %lt3A_330 : i32
      %convert_element_type3A_332 = arith.extui %lt3A_331 : i1 to i32
      %cond3A_333 = arith.constant 0 : i32
      %cond3A_334 = arith.cmpi ne, %convert_element_type3A_332, %cond3A_333 : i32
      scf.if %cond3A_334 {
        %add3A_378 = arith.constant 2 : i32
        %add3A_379 = arith.addi %add3A_321, %add3A_378 : i32
        %ge3A = arith.constant 10 : i32
        %ge3A_380 = arith.cmpi sge, %add3A_379, %ge3A : i32
        %convert_element_type3A_381 = arith.extui %ge3A_380 : i1 to i32
        %cond3A_382 = arith.constant 0 : i32
        %cond3A_383 = arith.cmpi ne, %convert_element_type3A_381, %cond3A_382 : i32
        scf.if %cond3A_383 {
          %add3A_392 = arith.constant 2 : i32
          %add3A_393 = arith.addi %add3A_321, %add3A_392 : i32
          %sub3A = arith.constant 10 : i32
          %sub3A_394 = arith.subi %add3A_393, %sub3A : i32
          %mul3A_395 = arith.constant 64 : i32
          %mul3A_396 = arith.muli %sub3A_394, %mul3A_395 : i32
          %add3A_397 = arith.addi %mul3A_2, %mul3A_396 : i32
          %dma_wait3A_398 = arith.constant 0 : i32
          %dma_wait3A_399 = tpu.memref_slice %arg4[%add3A_397, %dma_wait3A_398] : memref<204800x128xf32, #tpu.memory_space<hbm>> -> memref<64x128xf32, #tpu.memory_space<hbm>>
          %dma_wait3A_400 = arith.constant 0 : i32
          %dma_wait3A_401 = tpu.memref_slice %arg4[%add3A_397, %dma_wait3A_400] : memref<204800x128xf32, #tpu.memory_space<hbm>> -> memref<64x128xf32, #tpu.memory_space<hbm>>
          tpu.wait_dma2 semaphore(%arg26 : memref<!tpu.dma_semaphore, #tpu.memory_space<semaphore_mem>>) src(%arg6 : memref<64x128xf32, #tpu.memory_space<vmem>>) dst(%dma_wait3A_401 : memref<64x128xf32, #tpu.memory_space<hbm>>)
        } else {
        }
        %add3A_384 = arith.constant 2 : i32
        %add3A_385 = arith.addi %add3A_321, %add3A_384 : i32
        %dma_start3A_386 = arith.constant 0 : i32
        %dma_start3A_387 = tpu.memref_slice %arg5[%add3A_385, %dma_start3A_386] : memref<100x64xi32, #tpu.memory_space<vmem>> -> memref<1x64xi32, #tpu.memory_space<vmem>>
        %dma_start3A_388 = tpu.memref_squeeze %dma_start3A_387 : memref<1x64xi32, #tpu.memory_space<vmem>> -> memref<64xi32, #tpu.memory_space<vmem>>
        %dma_start3A_389 = arith.constant 0 : i32
        %dma_start3A_390 = arith.constant 0 : i32
        %dma_start3A_391 = tpu.memref_slice %arg3[%dma_start3A_389, %dma_start3A_390] : memref<100000x128xf32, #tpu.memory_space<hbm>> -> memref<100000x128xf32, #tpu.memory_space<hbm>>
        tpu.enqueue_indirect_dma source(%dma_start3A_391 : memref<100000x128xf32, #tpu.memory_space<hbm>>) target(%arg6 : memref<64x128xf32, #tpu.memory_space<vmem>>) offsets(%dma_start3A_388 : memref<64xi32, #tpu.memory_space<vmem>>) semaphore(%arg16 : memref<!tpu.dma_semaphore, #tpu.memory_space<semaphore_mem>>)
      } else {
      }
      %scan3A_335 = arith.constant 0 : i32
      %scan3A_336 = arith.constant 0 : i32
      %scan3A_337 = arith.constant 64 : i32
      %scan3A_338 = arith.addi %scan3A_336, %scan3A_337 : i32
      %scan3A_339 = arith.constant 1 : i32
      scf.for %scan3A_378 = %scan3A_336 to %scan3A_338 step %scan3A_339  : i32 {
        %get3A = arith.index_cast %scan3A_378 : i32 to index
        %get3A_379 = arith.constant 0 : index
        %get3A_380 = tpu.vector_load %arg14[%get3A, %get3A_379] {strides = array<i32>} : memref<64x128xf32, #tpu.memory_space<vmem>>, vector<1x16xf32>,
        %get3A_381 = vector.shape_cast %get3A_380 : vector<1x16xf32> to vector<16xf32>
        %mul3A_382 = arith.constant 11.3137083 : f32
        %mul3A_383 = vector.broadcast %mul3A_382 : f32 to vector<16xf32>
        %mul3A_384 = arith.mulf %get3A_381, %mul3A_383 : vector<16xf32>
        %swap3A = arith.index_cast %scan3A_378 : i32 to index
        %swap3A_385 = arith.constant 0 : index
        %swap3A_386 = tpu.vector_load %arg14[%swap3A, %swap3A_385] {strides = array<i32>} : memref<64x128xf32, #tpu.memory_space<vmem>>, vector<1x16xf32>,
        %swap3A_387 = vector.shape_cast %swap3A_386 : vector<1x16xf32> to vector<16xf32>
        %swap3A_388 = vector.shape_cast %mul3A_384 : vector<16xf32> to vector<1x16xf32>
        tpu.vector_store %arg14[%swap3A, %swap3A_385], %swap3A_388 {strides = array<i32>} : memref<64x128xf32, #tpu.memory_space<vmem>>, vector<1x16xf32>,
        %get3A_389 = arith.index_cast %scan3A_378 : i32 to index
        %get3A_390 = arith.constant 16 : index
        %get3A_391 = tpu.vector_load %arg14[%get3A_389, %get3A_390] {strides = array<i32>} : memref<64x128xf32, #tpu.memory_space<vmem>>, vector<1x16xf32>,
        %get3A_392 = vector.shape_cast %get3A_391 : vector<1x16xf32> to vector<16xf32>
        %mul3A_393 = arith.constant 11.3137083 : f32
        %mul3A_394 = vector.broadcast %mul3A_393 : f32 to vector<16xf32>
        %mul3A_395 = arith.mulf %get3A_392, %mul3A_394 : vector<16xf32>
        %swap3A_396 = arith.index_cast %scan3A_378 : i32 to index
        %swap3A_397 = arith.constant 16 : index
        %swap3A_398 = tpu.vector_load %arg14[%swap3A_396, %swap3A_397] {strides = array<i32>} : memref<64x128xf32, #tpu.memory_space<vmem>>, vector<1x16xf32>,
        %swap3A_399 = vector.shape_cast %swap3A_398 : vector<1x16xf32> to vector<16xf32>
        %swap3A_400 = vector.shape_cast %mul3A_395 : vector<16xf32> to vector<1x16xf32>
        tpu.vector_store %arg14[%swap3A_396, %swap3A_397], %swap3A_400 {strides = array<i32>} : memref<64x128xf32, #tpu.memory_space<vmem>>, vector<1x16xf32>,
        %get3A_401 = arith.index_cast %scan3A_378 : i32 to index
        %get3A_402 = arith.constant 32 : index
        %get3A_403 = tpu.vector_load %arg14[%get3A_401, %get3A_402] {strides = array<i32>} : memref<64x128xf32, #tpu.memory_space<vmem>>, vector<1x16xf32>,
        %get3A_404 = vector.shape_cast %get3A_403 : vector<1x16xf32> to vector<16xf32>
        %mul3A_405 = arith.constant 11.3137083 : f32
        %mul3A_406 = vector.broadcast %mul3A_405 : f32 to vector<16xf32>
        %mul3A_407 = arith.mulf %get3A_404, %mul3A_406 : vector<16xf32>
        %swap3A_408 = arith.index_cast %scan3A_378 : i32 to index
        %swap3A_409 = arith.constant 32 : index
        %swap3A_410 = tpu.vector_load %arg14[%swap3A_408, %swap3A_409] {strides = array<i32>} : memref<64x128xf32, #tpu.memory_space<vmem>>, vector<1x16xf32>,
        %swap3A_411 = vector.shape_cast %swap3A_410 : vector<1x16xf32> to vector<16xf32>
        %swap3A_412 = vector.shape_cast %mul3A_407 : vector<16xf32> to vector<1x16xf32>
        tpu.vector_store %arg14[%swap3A_408, %swap3A_409], %swap3A_412 {strides = array<i32>} : memref<64x128xf32, #tpu.memory_space<vmem>>, vector<1x16xf32>,
        %get3A_413 = arith.index_cast %scan3A_378 : i32 to index
        %get3A_414 = arith.constant 48 : index
        %get3A_415 = tpu.vector_load %arg14[%get3A_413, %get3A_414] {strides = array<i32>} : memref<64x128xf32, #tpu.memory_space<vmem>>, vector<1x16xf32>,
        %get3A_416 = vector.shape_cast %get3A_415 : vector<1x16xf32> to vector<16xf32>
        %mul3A_417 = arith.constant 11.3137083 : f32
        %mul3A_418 = vector.broadcast %mul3A_417 : f32 to vector<16xf32>
        %mul3A_419 = arith.mulf %get3A_416, %mul3A_418 : vector<16xf32>
        %swap3A_420 = arith.index_cast %scan3A_378 : i32 to index
        %swap3A_421 = arith.constant 48 : index
        %swap3A_422 = tpu.vector_load %arg14[%swap3A_420, %swap3A_421] {strides = array<i32>} : memref<64x128xf32, #tpu.memory_space<vmem>>, vector<1x16xf32>,
        %swap3A_423 = vector.shape_cast %swap3A_422 : vector<1x16xf32> to vector<16xf32>
        %swap3A_424 = vector.shape_cast %mul3A_419 : vector<16xf32> to vector<1x16xf32>
        tpu.vector_store %arg14[%swap3A_420, %swap3A_421], %swap3A_424 {strides = array<i32>} : memref<64x128xf32, #tpu.memory_space<vmem>>, vector<1x16xf32>,
        %get3A_425 = arith.index_cast %scan3A_378 : i32 to index
        %get3A_426 = arith.constant 64 : index
        %get3A_427 = tpu.vector_load %arg14[%get3A_425, %get3A_426] {strides = array<i32>} : memref<64x128xf32, #tpu.memory_space<vmem>>, vector<1x16xf32>,
        %get3A_428 = vector.shape_cast %get3A_427 : vector<1x16xf32> to vector<16xf32>
        %mul3A_429 = arith.constant 11.3137083 : f32
        %mul3A_430 = vector.broadcast %mul3A_429 : f32 to vector<16xf32>
        %mul3A_431 = arith.mulf %get3A_428, %mul3A_430 : vector<16xf32>
        %swap3A_432 = arith.index_cast %scan3A_378 : i32 to index
        %swap3A_433 = arith.constant 64 : index
        %swap3A_434 = tpu.vector_load %arg14[%swap3A_432, %swap3A_433] {strides = array<i32>} : memref<64x128xf32, #tpu.memory_space<vmem>>, vector<1x16xf32>,
        %swap3A_435 = vector.shape_cast %swap3A_434 : vector<1x16xf32> to vector<16xf32>
        %swap3A_436 = vector.shape_cast %mul3A_431 : vector<16xf32> to vector<1x16xf32>
        tpu.vector_store %arg14[%swap3A_432, %swap3A_433], %swap3A_436 {strides = array<i32>} : memref<64x128xf32, #tpu.memory_space<vmem>>, vector<1x16xf32>,
        %get3A_437 = arith.index_cast %scan3A_378 : i32 to index
        %get3A_438 = arith.constant 80 : index
        %get3A_439 = tpu.vector_load %arg14[%get3A_437, %get3A_438] {strides = array<i32>} : memref<64x128xf32, #tpu.memory_space<vmem>>, vector<1x16xf32>,
        %get3A_440 = vector.shape_cast %get3A_439 : vector<1x16xf32> to vector<16xf32>
        %mul3A_441 = arith.constant 11.3137083 : f32
        %mul3A_442 = vector.broadcast %mul3A_441 : f32 to vector<16xf32>
        %mul3A_443 = arith.mulf %get3A_440, %mul3A_442 : vector<16xf32>
        %swap3A_444 = arith.index_cast %scan3A_378 : i32 to index
        %swap3A_445 = arith.constant 80 : index
        %swap3A_446 = tpu.vector_load %arg14[%swap3A_444, %swap3A_445] {strides = array<i32>} : memref<64x128xf32, #tpu.memory_space<vmem>>, vector<1x16xf32>,
        %swap3A_447 = vector.shape_cast %swap3A_446 : vector<1x16xf32> to vector<16xf32>
        %swap3A_448 = vector.shape_cast %mul3A_443 : vector<16xf32> to vector<1x16xf32>
        tpu.vector_store %arg14[%swap3A_444, %swap3A_445], %swap3A_448 {strides = array<i32>} : memref<64x128xf32, #tpu.memory_space<vmem>>, vector<1x16xf32>,
        %get3A_449 = arith.index_cast %scan3A_378 : i32 to index
        %get3A_450 = arith.constant 96 : index
        %get3A_451 = tpu.vector_load %arg14[%get3A_449, %get3A_450] {strides = array<i32>} : memref<64x128xf32, #tpu.memory_space<vmem>>, vector<1x16xf32>,
        %get3A_452 = vector.shape_cast %get3A_451 : vector<1x16xf32> to vector<16xf32>
        %mul3A_453 = arith.constant 11.3137083 : f32
        %mul3A_454 = vector.broadcast %mul3A_453 : f32 to vector<16xf32>
        %mul3A_455 = arith.mulf %get3A_452, %mul3A_454 : vector<16xf32>
        %swap3A_456 = arith.index_cast %scan3A_378 : i32 to index
        %swap3A_457 = arith.constant 96 : index
        %swap3A_458 = tpu.vector_load %arg14[%swap3A_456, %swap3A_457] {strides = array<i32>} : memref<64x128xf32, #tpu.memory_space<vmem>>, vector<1x16xf32>,
        %swap3A_459 = vector.shape_cast %swap3A_458 : vector<1x16xf32> to vector<16xf32>
        %swap3A_460 = vector.shape_cast %mul3A_455 : vector<16xf32> to vector<1x16xf32>
        tpu.vector_store %arg14[%swap3A_456, %swap3A_457], %swap3A_460 {strides = array<i32>} : memref<64x128xf32, #tpu.memory_space<vmem>>, vector<1x16xf32>,
        %get3A_461 = arith.index_cast %scan3A_378 : i32 to index
        %get3A_462 = arith.constant 112 : index
        %get3A_463 = tpu.vector_load %arg14[%get3A_461, %get3A_462] {strides = array<i32>} : memref<64x128xf32, #tpu.memory_space<vmem>>, vector<1x16xf32>,
        %get3A_464 = vector.shape_cast %get3A_463 : vector<1x16xf32> to vector<16xf32>
        %mul3A_465 = arith.constant 11.3137083 : f32
        %mul3A_466 = vector.broadcast %mul3A_465 : f32 to vector<16xf32>
        %mul3A_467 = arith.mulf %get3A_464, %mul3A_466 : vector<16xf32>
        %swap3A_468 = arith.index_cast %scan3A_378 : i32 to index
        %swap3A_469 = arith.constant 112 : index
        %swap3A_470 = tpu.vector_load %arg14[%swap3A_468, %swap3A_469] {strides = array<i32>} : memref<64x128xf32, #tpu.memory_space<vmem>>, vector<1x16xf32>,
        %swap3A_471 = vector.shape_cast %swap3A_470 : vector<1x16xf32> to vector<16xf32>
        %swap3A_472 = vector.shape_cast %mul3A_467 : vector<16xf32> to vector<1x16xf32>
        tpu.vector_store %arg14[%swap3A_468, %swap3A_469], %swap3A_472 {strides = array<i32>} : memref<64x128xf32, #tpu.memory_space<vmem>>, vector<1x16xf32>,
      }
      %scan3A_340 = arith.constant 64 : i32
      %mul3A_341 = arith.constant 64 : i32
      %mul3A_342 = arith.muli %add3A_321, %mul3A_341 : i32
      %add3A_343 = arith.addi %mul3A_2, %mul3A_342 : i32
      %dma_start3A_344 = arith.constant 0 : i32
      %dma_start3A_345 = tpu.memref_slice %arg4[%add3A_343, %dma_start3A_344] : memref<204800x128xf32, #tpu.memory_space<hbm>> -> memref<64x128xf32, #tpu.memory_space<hbm>>
      %dma_start3A_346 = arith.constant 0 : i32
      %dma_start3A_347 = tpu.memref_slice %arg4[%add3A_343, %dma_start3A_346] : memref<204800x128xf32, #tpu.memory_space<hbm>> -> memref<64x128xf32, #tpu.memory_space<hbm>>
      tpu.enqueue_dma source(%arg14 : memref<64x128xf32, #tpu.memory_space<vmem>>) target(%dma_start3A_347 : memref<64x128xf32, #tpu.memory_space<hbm>>) target_semaphore(%arg34 : memref<!tpu.dma_semaphore, #tpu.memory_space<semaphore_mem>>)
      %mul3A_348 = arith.constant 10 : i32
      %mul3A_349 = arith.muli %scan3A_80, %mul3A_348 : i32
      %add3A_350 = arith.constant 9 : i32
      %add3A_351 = arith.addi %mul3A_349, %add3A_350 : i32
      %dma_wait3A_352 = arith.constant 0 : i32
      %dma_wait3A_353 = arith.constant 0 : i32
      %dma_wait3A_354 = tpu.memref_slice %arg3[%dma_wait3A_352, %dma_wait3A_353] : memref<100000x128xf32, #tpu.memory_space<hbm>> -> memref<64x128xf32, #tpu.memory_space<hbm>>
      %dma_wait3A_355 = arith.constant 0 : i32
      %dma_wait3A_356 = arith.constant 0 : i32
      %dma_wait3A_357 = tpu.memref_slice %arg3[%dma_wait3A_355, %dma_wait3A_356] : memref<100000x128xf32, #tpu.memory_space<hbm>> -> memref<64x128xf32, #tpu.memory_space<hbm>>
      tpu.wait_dma2 semaphore(%arg25 : memref<!tpu.dma_semaphore, #tpu.memory_space<semaphore_mem>>) src(%dma_wait3A_357 : memref<64x128xf32, #tpu.memory_space<hbm>>) dst(%arg15 : memref<64x128xf32, #tpu.memory_space<vmem>>)
      %add3A_358 = arith.constant 2 : i32
      %add3A_359 = arith.addi %add3A_351, %add3A_358 : i32
      %lt3A_360 = arith.constant 100 : i32
      %lt3A_361 = arith.cmpi slt, %add3A_359, %lt3A_360 : i32
      %convert_element_type3A_362 = arith.extui %lt3A_361 : i1 to i32
      %cond3A_363 = arith.constant 0 : i32
      %cond3A_364 = arith.cmpi ne, %convert_element_type3A_362, %cond3A_363 : i32
      scf.if %cond3A_364 {
        %add3A_378 = arith.constant 2 : i32
        %add3A_379 = arith.addi %add3A_351, %add3A_378 : i32
        %ge3A = arith.constant 10 : i32
        %ge3A_380 = arith.cmpi sge, %add3A_379, %ge3A : i32
        %convert_element_type3A_381 = arith.extui %ge3A_380 : i1 to i32
        %cond3A_382 = arith.constant 0 : i32
        %cond3A_383 = arith.cmpi ne, %convert_element_type3A_381, %cond3A_382 : i32
        scf.if %cond3A_383 {
          %add3A_392 = arith.constant 2 : i32
          %add3A_393 = arith.addi %add3A_351, %add3A_392 : i32
          %sub3A = arith.constant 10 : i32
          %sub3A_394 = arith.subi %add3A_393, %sub3A : i32
          %mul3A_395 = arith.constant 64 : i32
          %mul3A_396 = arith.muli %sub3A_394, %mul3A_395 : i32
          %add3A_397 = arith.addi %mul3A_2, %mul3A_396 : i32
          %dma_wait3A_398 = arith.constant 0 : i32
          %dma_wait3A_399 = tpu.memref_slice %arg4[%add3A_397, %dma_wait3A_398] : memref<204800x128xf32, #tpu.memory_space<hbm>> -> memref<64x128xf32, #tpu.memory_space<hbm>>
          %dma_wait3A_400 = arith.constant 0 : i32
          %dma_wait3A_401 = tpu.memref_slice %arg4[%add3A_397, %dma_wait3A_400] : memref<204800x128xf32, #tpu.memory_space<hbm>> -> memref<64x128xf32, #tpu.memory_space<hbm>>
          tpu.wait_dma2 semaphore(%arg27 : memref<!tpu.dma_semaphore, #tpu.memory_space<semaphore_mem>>) src(%arg7 : memref<64x128xf32, #tpu.memory_space<vmem>>) dst(%dma_wait3A_401 : memref<64x128xf32, #tpu.memory_space<hbm>>)
        } else {
        }
        %add3A_384 = arith.constant 2 : i32
        %add3A_385 = arith.addi %add3A_351, %add3A_384 : i32
        %dma_start3A_386 = arith.constant 0 : i32
        %dma_start3A_387 = tpu.memref_slice %arg5[%add3A_385, %dma_start3A_386] : memref<100x64xi32, #tpu.memory_space<vmem>> -> memref<1x64xi32, #tpu.memory_space<vmem>>
        %dma_start3A_388 = tpu.memref_squeeze %dma_start3A_387 : memref<1x64xi32, #tpu.memory_space<vmem>> -> memref<64xi32, #tpu.memory_space<vmem>>
        %dma_start3A_389 = arith.constant 0 : i32
        %dma_start3A_390 = arith.constant 0 : i32
        %dma_start3A_391 = tpu.memref_slice %arg3[%dma_start3A_389, %dma_start3A_390] : memref<100000x128xf32, #tpu.memory_space<hbm>> -> memref<100000x128xf32, #tpu.memory_space<hbm>>
        tpu.enqueue_indirect_dma source(%dma_start3A_391 : memref<100000x128xf32, #tpu.memory_space<hbm>>) target(%arg7 : memref<64x128xf32, #tpu.memory_space<vmem>>) offsets(%dma_start3A_388 : memref<64xi32, #tpu.memory_space<vmem>>) semaphore(%arg17 : memref<!tpu.dma_semaphore, #tpu.memory_space<semaphore_mem>>)
      } else {
      }
      %scan3A_365 = arith.constant 0 : i32
      %scan3A_366 = arith.constant 0 : i32
      %scan3A_367 = arith.constant 64 : i32
      %scan3A_368 = arith.addi %scan3A_366, %scan3A_367 : i32
      %scan3A_369 = arith.constant 1 : i32
      scf.for %scan3A_378 = %scan3A_366 to %scan3A_368 step %scan3A_369  : i32 {
        %get3A = arith.index_cast %scan3A_378 : i32 to index
        %get3A_379 = arith.constant 0 : index
        %get3A_380 = tpu.vector_load %arg15[%get3A, %get3A_379] {strides = array<i32>} : memref<64x128xf32, #tpu.memory_space<vmem>>, vector<1x16xf32>,
        %get3A_381 = vector.shape_cast %get3A_380 : vector<1x16xf32> to vector<16xf32>
        %mul3A_382 = arith.constant 11.3137083 : f32
        %mul3A_383 = vector.broadcast %mul3A_382 : f32 to vector<16xf32>
        %mul3A_384 = arith.mulf %get3A_381, %mul3A_383 : vector<16xf32>
        %swap3A = arith.index_cast %scan3A_378 : i32 to index
        %swap3A_385 = arith.constant 0 : index
        %swap3A_386 = tpu.vector_load %arg15[%swap3A, %swap3A_385] {strides = array<i32>} : memref<64x128xf32, #tpu.memory_space<vmem>>, vector<1x16xf32>,
        %swap3A_387 = vector.shape_cast %swap3A_386 : vector<1x16xf32> to vector<16xf32>
        %swap3A_388 = vector.shape_cast %mul3A_384 : vector<16xf32> to vector<1x16xf32>
        tpu.vector_store %arg15[%swap3A, %swap3A_385], %swap3A_388 {strides = array<i32>} : memref<64x128xf32, #tpu.memory_space<vmem>>, vector<1x16xf32>,
        %get3A_389 = arith.index_cast %scan3A_378 : i32 to index
        %get3A_390 = arith.constant 16 : index
        %get3A_391 = tpu.vector_load %arg15[%get3A_389, %get3A_390] {strides = array<i32>} : memref<64x128xf32, #tpu.memory_space<vmem>>, vector<1x16xf32>,
        %get3A_392 = vector.shape_cast %get3A_391 : vector<1x16xf32> to vector<16xf32>
        %mul3A_393 = arith.constant 11.3137083 : f32
        %mul3A_394 = vector.broadcast %mul3A_393 : f32 to vector<16xf32>
        %mul3A_395 = arith.mulf %get3A_392, %mul3A_394 : vector<16xf32>
        %swap3A_396 = arith.index_cast %scan3A_378 : i32 to index
        %swap3A_397 = arith.constant 16 : index
        %swap3A_398 = tpu.vector_load %arg15[%swap3A_396, %swap3A_397] {strides = array<i32>} : memref<64x128xf32, #tpu.memory_space<vmem>>, vector<1x16xf32>,
        %swap3A_399 = vector.shape_cast %swap3A_398 : vector<1x16xf32> to vector<16xf32>
        %swap3A_400 = vector.shape_cast %mul3A_395 : vector<16xf32> to vector<1x16xf32>
        tpu.vector_store %arg15[%swap3A_396, %swap3A_397], %swap3A_400 {strides = array<i32>} : memref<64x128xf32, #tpu.memory_space<vmem>>, vector<1x16xf32>,
        %get3A_401 = arith.index_cast %scan3A_378 : i32 to index
        %get3A_402 = arith.constant 32 : index
        %get3A_403 = tpu.vector_load %arg15[%get3A_401, %get3A_402] {strides = array<i32>} : memref<64x128xf32, #tpu.memory_space<vmem>>, vector<1x16xf32>,
        %get3A_404 = vector.shape_cast %get3A_403 : vector<1x16xf32> to vector<16xf32>
        %mul3A_405 = arith.constant 11.3137083 : f32
        %mul3A_406 = vector.broadcast %mul3A_405 : f32 to vector<16xf32>
        %mul3A_407 = arith.mulf %get3A_404, %mul3A_406 : vector<16xf32>
        %swap3A_408 = arith.index_cast %scan3A_378 : i32 to index
        %swap3A_409 = arith.constant 32 : index
        %swap3A_410 = tpu.vector_load %arg15[%swap3A_408, %swap3A_409] {strides = array<i32>} : memref<64x128xf32, #tpu.memory_space<vmem>>, vector<1x16xf32>,
        %swap3A_411 = vector.shape_cast %swap3A_410 : vector<1x16xf32> to vector<16xf32>
        %swap3A_412 = vector.shape_cast %mul3A_407 : vector<16xf32> to vector<1x16xf32>
        tpu.vector_store %arg15[%swap3A_408, %swap3A_409], %swap3A_412 {strides = array<i32>} : memref<64x128xf32, #tpu.memory_space<vmem>>, vector<1x16xf32>,
        %get3A_413 = arith.index_cast %scan3A_378 : i32 to index
        %get3A_414 = arith.constant 48 : index
        %get3A_415 = tpu.vector_load %arg15[%get3A_413, %get3A_414] {strides = array<i32>} : memref<64x128xf32, #tpu.memory_space<vmem>>, vector<1x16xf32>,
        %get3A_416 = vector.shape_cast %get3A_415 : vector<1x16xf32> to vector<16xf32>
        %mul3A_417 = arith.constant 11.3137083 : f32
        %mul3A_418 = vector.broadcast %mul3A_417 : f32 to vector<16xf32>
        %mul3A_419 = arith.mulf %get3A_416, %mul3A_418 : vector<16xf32>
        %swap3A_420 = arith.index_cast %scan3A_378 : i32 to index
        %swap3A_421 = arith.constant 48 : index
        %swap3A_422 = tpu.vector_load %arg15[%swap3A_420, %swap3A_421] {strides = array<i32>} : memref<64x128xf32, #tpu.memory_space<vmem>>, vector<1x16xf32>,
        %swap3A_423 = vector.shape_cast %swap3A_422 : vector<1x16xf32> to vector<16xf32>
        %swap3A_424 = vector.shape_cast %mul3A_419 : vector<16xf32> to vector<1x16xf32>
        tpu.vector_store %arg15[%swap3A_420, %swap3A_421], %swap3A_424 {strides = array<i32>} : memref<64x128xf32, #tpu.memory_space<vmem>>, vector<1x16xf32>,
        %get3A_425 = arith.index_cast %scan3A_378 : i32 to index
        %get3A_426 = arith.constant 64 : index
        %get3A_427 = tpu.vector_load %arg15[%get3A_425, %get3A_426] {strides = array<i32>} : memref<64x128xf32, #tpu.memory_space<vmem>>, vector<1x16xf32>,
        %get3A_428 = vector.shape_cast %get3A_427 : vector<1x16xf32> to vector<16xf32>
        %mul3A_429 = arith.constant 11.3137083 : f32
        %mul3A_430 = vector.broadcast %mul3A_429 : f32 to vector<16xf32>
        %mul3A_431 = arith.mulf %get3A_428, %mul3A_430 : vector<16xf32>
        %swap3A_432 = arith.index_cast %scan3A_378 : i32 to index
        %swap3A_433 = arith.constant 64 : index
        %swap3A_434 = tpu.vector_load %arg15[%swap3A_432, %swap3A_433] {strides = array<i32>} : memref<64x128xf32, #tpu.memory_space<vmem>>, vector<1x16xf32>,
        %swap3A_435 = vector.shape_cast %swap3A_434 : vector<1x16xf32> to vector<16xf32>
        %swap3A_436 = vector.shape_cast %mul3A_431 : vector<16xf32> to vector<1x16xf32>
        tpu.vector_store %arg15[%swap3A_432, %swap3A_433], %swap3A_436 {strides = array<i32>} : memref<64x128xf32, #tpu.memory_space<vmem>>, vector<1x16xf32>,
        %get3A_437 = arith.index_cast %scan3A_378 : i32 to index
        %get3A_438 = arith.constant 80 : index
        %get3A_439 = tpu.vector_load %arg15[%get3A_437, %get3A_438] {strides = array<i32>} : memref<64x128xf32, #tpu.memory_space<vmem>>, vector<1x16xf32>,
        %get3A_440 = vector.shape_cast %get3A_439 : vector<1x16xf32> to vector<16xf32>
        %mul3A_441 = arith.constant 11.3137083 : f32
        %mul3A_442 = vector.broadcast %mul3A_441 : f32 to vector<16xf32>
        %mul3A_443 = arith.mulf %get3A_440, %mul3A_442 : vector<16xf32>
        %swap3A_444 = arith.index_cast %scan3A_378 : i32 to index
        %swap3A_445 = arith.constant 80 : index
        %swap3A_446 = tpu.vector_load %arg15[%swap3A_444, %swap3A_445] {strides = array<i32>} : memref<64x128xf32, #tpu.memory_space<vmem>>, vector<1x16xf32>,
        %swap3A_447 = vector.shape_cast %swap3A_446 : vector<1x16xf32> to vector<16xf32>
        %swap3A_448 = vector.shape_cast %mul3A_443 : vector<16xf32> to vector<1x16xf32>
        tpu.vector_store %arg15[%swap3A_444, %swap3A_445], %swap3A_448 {strides = array<i32>} : memref<64x128xf32, #tpu.memory_space<vmem>>, vector<1x16xf32>,
        %get3A_449 = arith.index_cast %scan3A_378 : i32 to index
        %get3A_450 = arith.constant 96 : index
        %get3A_451 = tpu.vector_load %arg15[%get3A_449, %get3A_450] {strides = array<i32>} : memref<64x128xf32, #tpu.memory_space<vmem>>, vector<1x16xf32>,
        %get3A_452 = vector.shape_cast %get3A_451 : vector<1x16xf32> to vector<16xf32>
        %mul3A_453 = arith.constant 11.3137083 : f32
        %mul3A_454 = vector.broadcast %mul3A_453 : f32 to vector<16xf32>
        %mul3A_455 = arith.mulf %get3A_452, %mul3A_454 : vector<16xf32>
        %swap3A_456 = arith.index_cast %scan3A_378 : i32 to index
        %swap3A_457 = arith.constant 96 : index
        %swap3A_458 = tpu.vector_load %arg15[%swap3A_456, %swap3A_457] {strides = array<i32>} : memref<64x128xf32, #tpu.memory_space<vmem>>, vector<1x16xf32>,
        %swap3A_459 = vector.shape_cast %swap3A_458 : vector<1x16xf32> to vector<16xf32>
        %swap3A_460 = vector.shape_cast %mul3A_455 : vector<16xf32> to vector<1x16xf32>
        tpu.vector_store %arg15[%swap3A_456, %swap3A_457], %swap3A_460 {strides = array<i32>} : memref<64x128xf32, #tpu.memory_space<vmem>>, vector<1x16xf32>,
        %get3A_461 = arith.index_cast %scan3A_378 : i32 to index
        %get3A_462 = arith.constant 112 : index
        %get3A_463 = tpu.vector_load %arg15[%get3A_461, %get3A_462] {strides = array<i32>} : memref<64x128xf32, #tpu.memory_space<vmem>>, vector<1x16xf32>,
        %get3A_464 = vector.shape_cast %get3A_463 : vector<1x16xf32> to vector<16xf32>
        %mul3A_465 = arith.constant 11.3137083 : f32
        %mul3A_466 = vector.broadcast %mul3A_465 : f32 to vector<16xf32>
        %mul3A_467 = arith.mulf %get3A_464, %mul3A_466 : vector<16xf32>
        %swap3A_468 = arith.index_cast %scan3A_378 : i32 to index
        %swap3A_469 = arith.constant 112 : index
        %swap3A_470 = tpu.vector_load %arg15[%swap3A_468, %swap3A_469] {strides = array<i32>} : memref<64x128xf32, #tpu.memory_space<vmem>>, vector<1x16xf32>,
        %swap3A_471 = vector.shape_cast %swap3A_470 : vector<1x16xf32> to vector<16xf32>
        %swap3A_472 = vector.shape_cast %mul3A_467 : vector<16xf32> to vector<1x16xf32>
        tpu.vector_store %arg15[%swap3A_468, %swap3A_469], %swap3A_472 {strides = array<i32>} : memref<64x128xf32, #tpu.memory_space<vmem>>, vector<1x16xf32>,
      }
      %scan3A_370 = arith.constant 64 : i32
      %mul3A_371 = arith.constant 64 : i32
      %mul3A_372 = arith.muli %add3A_351, %mul3A_371 : i32
      %add3A_373 = arith.addi %mul3A_2, %mul3A_372 : i32
      %dma_start3A_374 = arith.constant 0 : i32
      %dma_start3A_375 = tpu.memref_slice %arg4[%add3A_373, %dma_start3A_374] : memref<204800x128xf32, #tpu.memory_space<hbm>> -> memref<64x128xf32, #tpu.memory_space<hbm>>
      %dma_start3A_376 = arith.constant 0 : i32
      %dma_start3A_377 = tpu.memref_slice %arg4[%add3A_373, %dma_start3A_376] : memref<204800x128xf32, #tpu.memory_space<hbm>> -> memref<64x128xf32, #tpu.memory_space<hbm>>
      tpu.enqueue_dma source(%arg15 : memref<64x128xf32, #tpu.memory_space<vmem>>) target(%dma_start3A_377 : memref<64x128xf32, #tpu.memory_space<hbm>>) target_semaphore(%arg35 : memref<!tpu.dma_semaphore, #tpu.memory_space<semaphore_mem>>)
    }
    %scan3A_20 = arith.constant 10 : i32
    %add3A_21 = arith.constant 5760 : i32
    %add3A_22 = arith.addi %mul3A_2, %add3A_21 : i32
    %dma_wait3A = arith.constant 0 : i32
    %dma_wait3A_23 = tpu.memref_slice %arg4[%add3A_22, %dma_wait3A] : memref<204800x128xf32, #tpu.memory_space<hbm>> -> memref<64x128xf32, #tpu.memory_space<hbm>>
    %dma_wait3A_24 = arith.constant 0 : i32
    %dma_wait3A_25 = tpu.memref_slice %arg4[%add3A_22, %dma_wait3A_24] : memref<204800x128xf32, #tpu.memory_space<hbm>> -> memref<64x128xf32, #tpu.memory_space<hbm>>
    tpu.wait_dma2 semaphore(%arg26 : memref<!tpu.dma_semaphore, #tpu.memory_space<semaphore_mem>>) src(%arg6 : memref<64x128xf32, #tpu.memory_space<vmem>>) dst(%dma_wait3A_25 : memref<64x128xf32, #tpu.memory_space<hbm>>)
    %add3A_26 = arith.constant 5824 : i32
    %add3A_27 = arith.addi %mul3A_2, %add3A_26 : i32
    %dma_wait3A_28 = arith.constant 0 : i32
    %dma_wait3A_29 = tpu.memref_slice %arg4[%add3A_27, %dma_wait3A_28] : memref<204800x128xf32, #tpu.memory_space<hbm>> -> memref<64x128xf32, #tpu.memory_space<hbm>>
    %dma_wait3A_30 = arith.constant 0 : i32
    %dma_wait3A_31 = tpu.memref_slice %arg4[%add3A_27, %dma_wait3A_30] : memref<204800x128xf32, #tpu.memory_space<hbm>> -> memref<64x128xf32, #tpu.memory_space<hbm>>
    tpu.wait_dma2 semaphore(%arg27 : memref<!tpu.dma_semaphore, #tpu.memory_space<semaphore_mem>>) src(%arg7 : memref<64x128xf32, #tpu.memory_space<vmem>>) dst(%dma_wait3A_31 : memref<64x128xf32, #tpu.memory_space<hbm>>)
    %add3A_32 = arith.constant 5888 : i32
    %add3A_33 = arith.addi %mul3A_2, %add3A_32 : i32
    %dma_wait3A_34 = arith.constant 0 : i32
    %dma_wait3A_35 = tpu.memref_slice %arg4[%add3A_33, %dma_wait3A_34] : memref<204800x128xf32, #tpu.memory_space<hbm>> -> memref<64x128xf32, #tpu.memory_space<hbm>>
    %dma_wait3A_36 = arith.constant 0 : i32
    %dma_wait3A_37 = tpu.memref_slice %arg4[%add3A_33, %dma_wait3A_36] : memref<204800x128xf32, #tpu.memory_space<hbm>> -> memref<64x128xf32, #tpu.memory_space<hbm>>
    tpu.wait_dma2 semaphore(%arg28 : memref<!tpu.dma_semaphore, #tpu.memory_space<semaphore_mem>>) src(%arg8 : memref<64x128xf32, #tpu.memory_space<vmem>>) dst(%dma_wait3A_37 : memref<64x128xf32, #tpu.memory_space<hbm>>)
    %add3A_38 = arith.constant 5952 : i32
    %add3A_39 = arith.addi %mul3A_2, %add3A_38 : i32
    %dma_wait3A_40 = arith.constant 0 : i32
    %dma_wait3A_41 = tpu.memref_slice %arg4[%add3A_39, %dma_wait3A_40] : memref<204800x128xf32, #tpu.memory_space<hbm>> -> memref<64x128xf32, #tpu.memory_space<hbm>>
    %dma_wait3A_42 = arith.constant 0 : i32
    %dma_wait3A_43 = tpu.memref_slice %arg4[%add3A_39, %dma_wait3A_42] : memref<204800x128xf32, #tpu.memory_space<hbm>> -> memref<64x128xf32, #tpu.memory_space<hbm>>
    tpu.wait_dma2 semaphore(%arg29 : memref<!tpu.dma_semaphore, #tpu.memory_space<semaphore_mem>>) src(%arg9 : memref<64x128xf32, #tpu.memory_space<vmem>>) dst(%dma_wait3A_43 : memref<64x128xf32, #tpu.memory_space<hbm>>)
    %add3A_44 = arith.constant 6016 : i32
    %add3A_45 = arith.addi %mul3A_2, %add3A_44 : i32
    %dma_wait3A_46 = arith.constant 0 : i32
    %dma_wait3A_47 = tpu.memref_slice %arg4[%add3A_45, %dma_wait3A_46] : memref<204800x128xf32, #tpu.memory_space<hbm>> -> memref<64x128xf32, #tpu.memory_space<hbm>>
    %dma_wait3A_48 = arith.constant 0 : i32
    %dma_wait3A_49 = tpu.memref_slice %arg4[%add3A_45, %dma_wait3A_48] : memref<204800x128xf32, #tpu.memory_space<hbm>> -> memref<64x128xf32, #tpu.memory_space<hbm>>
    tpu.wait_dma2 semaphore(%arg30 : memref<!tpu.dma_semaphore, #tpu.memory_space<semaphore_mem>>) src(%arg10 : memref<64x128xf32, #tpu.memory_space<vmem>>) dst(%dma_wait3A_49 : memref<64x128xf32, #tpu.memory_space<hbm>>)
    %add3A_50 = arith.constant 6080 : i32
    %add3A_51 = arith.addi %mul3A_2, %add3A_50 : i32
    %dma_wait3A_52 = arith.constant 0 : i32
    %dma_wait3A_53 = tpu.memref_slice %arg4[%add3A_51, %dma_wait3A_52] : memref<204800x128xf32, #tpu.memory_space<hbm>> -> memref<64x128xf32, #tpu.memory_space<hbm>>
    %dma_wait3A_54 = arith.constant 0 : i32
    %dma_wait3A_55 = tpu.memref_slice %arg4[%add3A_51, %dma_wait3A_54] : memref<204800x128xf32, #tpu.memory_space<hbm>> -> memref<64x128xf32, #tpu.memory_space<hbm>>
    tpu.wait_dma2 semaphore(%arg31 : memref<!tpu.dma_semaphore, #tpu.memory_space<semaphore_mem>>) src(%arg11 : memref<64x128xf32, #tpu.memory_space<vmem>>) dst(%dma_wait3A_55 : memref<64x128xf32, #tpu.memory_space<hbm>>)
    %add3A_56 = arith.constant 6144 : i32
    %add3A_57 = arith.addi %mul3A_2, %add3A_56 : i32
    %dma_wait3A_58 = arith.constant 0 : i32
    %dma_wait3A_59 = tpu.memref_slice %arg4[%add3A_57, %dma_wait3A_58] : memref<204800x128xf32, #tpu.memory_space<hbm>> -> memref<64x128xf32, #tpu.memory_space<hbm>>
    %dma_wait3A_60 = arith.constant 0 : i32
    %dma_wait3A_61 = tpu.memref_slice %arg4[%add3A_57, %dma_wait3A_60] : memref<204800x128xf32, #tpu.memory_space<hbm>> -> memref<64x128xf32, #tpu.memory_space<hbm>>
    tpu.wait_dma2 semaphore(%arg32 : memref<!tpu.dma_semaphore, #tpu.memory_space<semaphore_mem>>) src(%arg12 : memref<64x128xf32, #tpu.memory_space<vmem>>) dst(%dma_wait3A_61 : memref<64x128xf32, #tpu.memory_space<hbm>>)
    %add3A_62 = arith.constant 6208 : i32
    %add3A_63 = arith.addi %mul3A_2, %add3A_62 : i32
    %dma_wait3A_64 = arith.constant 0 : i32
    %dma_wait3A_65 = tpu.memref_slice %arg4[%add3A_63, %dma_wait3A_64] : memref<204800x128xf32, #tpu.memory_space<hbm>> -> memref<64x128xf32, #tpu.memory_space<hbm>>
    %dma_wait3A_66 = arith.constant 0 : i32
    %dma_wait3A_67 = tpu.memref_slice %arg4[%add3A_63, %dma_wait3A_66] : memref<204800x128xf32, #tpu.memory_space<hbm>> -> memref<64x128xf32, #tpu.memory_space<hbm>>
    tpu.wait_dma2 semaphore(%arg33 : memref<!tpu.dma_semaphore, #tpu.memory_space<semaphore_mem>>) src(%arg13 : memref<64x128xf32, #tpu.memory_space<vmem>>) dst(%dma_wait3A_67 : memref<64x128xf32, #tpu.memory_space<hbm>>)
    %add3A_68 = arith.constant 6272 : i32
    %add3A_69 = arith.addi %mul3A_2, %add3A_68 : i32
    %dma_wait3A_70 = arith.constant 0 : i32
    %dma_wait3A_71 = tpu.memref_slice %arg4[%add3A_69, %dma_wait3A_70] : memref<204800x128xf32, #tpu.memory_space<hbm>> -> memref<64x128xf32, #tpu.memory_space<hbm>>
    %dma_wait3A_72 = arith.constant 0 : i32
    %dma_wait3A_73 = tpu.memref_slice %arg4[%add3A_69, %dma_wait3A_72] : memref<204800x128xf32, #tpu.memory_space<hbm>> -> memref<64x128xf32, #tpu.memory_space<hbm>>
    tpu.wait_dma2 semaphore(%arg34 : memref<!tpu.dma_semaphore, #tpu.memory_space<semaphore_mem>>) src(%arg14 : memref<64x128xf32, #tpu.memory_space<vmem>>) dst(%dma_wait3A_73 : memref<64x128xf32, #tpu.memory_space<hbm>>)
    %add3A_74 = arith.constant 6336 : i32
    %add3A_75 = arith.addi %mul3A_2, %add3A_74 : i32
    %dma_wait3A_76 = arith.constant 0 : i32
    %dma_wait3A_77 = tpu.memref_slice %arg4[%add3A_75, %dma_wait3A_76] : memref<204800x128xf32, #tpu.memory_space<hbm>> -> memref<64x128xf32, #tpu.memory_space<hbm>>
    %dma_wait3A_78 = arith.constant 0 : i32
    %dma_wait3A_79 = tpu.memref_slice %arg4[%add3A_75, %dma_wait3A_78] : memref<204800x128xf32, #tpu.memory_space<hbm>> -> memref<64x128xf32, #tpu.memory_space<hbm>>
    tpu.wait_dma2 semaphore(%arg35 : memref<!tpu.dma_semaphore, #tpu.memory_space<semaphore_mem>>) src(%arg15 : memref<64x128xf32, #tpu.memory_space<vmem>>) dst(%dma_wait3A_79 : memref<64x128xf32, #tpu.memory_space<hbm>>)
    return
  }
}

</mosaic_0001>

<sc_bundles>
// kernel: kernel.3.cloned.1.call-start
scs
__scs_entry_jumppad:
0x0: {  	(pc) =	sbr.rel $0x88, $3  }
0x1: {  	(tag) =	ssettag $0x0;
	lr =	simm.s32 $0x1  }
0x2: {  	[smem:$0x3F9F] =	sst lr;
	_ =	strace $0xD0000000  }
0x3: {  	_ = 	snop  }
0x4: {  	_ = 	snop  }
0x5: {  	_ = 	snop  }
0x6: {  	_ = 	snop  }
0x7: {  	_ = 	snop  }
__scs_overlays_trampoline_lowered:
0x8: {  	[smem:$0x3FAE] =	sst s0  }
0x9: {  	[smem:$0x3FAF] =	sst s1  }
0xa: {  	[smem:$0x3FB0] =	sst s2  }
0xb: {  	[smem:$0x3FB1] =	sst s3  }
0xc: {  	[smem:$0x3FB2] =	sst s4  }
0xd: {  	[smem:$0x3FB3] =	sst s5  }
0xe: {  	[smem:$0x3FB4] =	sst s6  }
0xf: {  	[smem:$0x3FB5] =	sst s7  }
0x10: {  	[smem:$0x3FB6] =	sst s8  }
0x11: {  	[smem:$0x3FB7] =	sst s9;
	s0 =	simm.s32 @!p0 $0x0  }
0x12: {  	s1 =	sld [smem:$0x3F9D];
	s0 =	simm.s32 @p0 $0x1  }
0x13: {  	[smem:$0x3FB8] =	sst s0;
	s0 =	simm.s32 @!p1 $0x0  }
0x14: {  	s2 =	sld [smem:$0x3F9C];
	s0 =	simm.s32 @p1 $0x1  }
0x15: {  	[smem:$0x3FB9] =	sst s0;
	s0 =	simm.s32 @!p2 $0x0  }
0x16: {  	s3 =	sld [smem:$0x3FDB];
	s0 =	simm.s32 @p2 $0x1  }
0x17: {  	s4 =	simm.s32 $0x1BF5;
	[smem:$0x3FBB] =	sst s0  }
0x18: {  	s0 =	sld [smem:$0x3F9E];
	_ =	swait.ge [sflag:s4], $0x0  }
0x19: {  	s7 =	sld [smem:$0x3F9F]  }
0x1a: {  	s8 =	sadd.s32 $0xFFFFE003, lr  }
0x1b: {  	s9 =	sadd.s32 $0xFFFFFEF7, lr;
	s5 =	simm.s32 $0xFFFFFFFF;
	p2 =	slt.u32 s8, $0xFFFFF086  }
0x1c: {  	p1 =	slt.u32 s9, $0xF7A;
	s5 =	simm.s32 @!p2 $0x0  }
0x1d: {  	s5 =	simm.s32 @p1 $0x1;
	p0 =	seq.s32 s7, s2  }
0x1e: {  	s7 =	smul.u32 @!p0 $0xF7A, s2;
	p2 =	seq.s32 @!p0 s5, $0x0  }
0x1f: {  	s9 =	smul.u32 $0xF7A, s1;
	s8 =	simm.s32 @!p0 $0x1BF5;
	p2 =	por !p2, p0  }
0x20: {  	[sflag:s8] =	ssyncset.s32 @!p0 $0xFFFFF086;
	s6 =	sadd.s32 @!p0 s3, s7;
	s7 =	simm.s32 @!p0 $0x108  }
0x21: {  	s3 =	sadd.s32 s3, s9;
	s6 =	sadd.s32 @!p0 $0x88, s6;
	s7 =	simm.s32 @p2 $0x1082  }
0x22: {  	[simem:s7], [sflag:s8] =	dma.local @!p0 [hbm:s6], $0xF7A  }
0x23: {  	s9 =	sor.u32 $0xD0000000, s2;
	s6 =	simm.s32 $0x108;
	_ =	swait.ge @!p0 [sflag:s8], $0x0  }
0x24: {  	s3 =	sadd.s32 $0x88, s3;
	s6 =	simm.s32 @!p1 $0x1082;
	[sflag:s4] =	ssyncset.s32 $0xFFFFF086  }
0x25: {  	[simem:s6], [sflag:s4] =	dma.local [hbm:s3], $0xF7A  }
0x26: {  	[smem:$0x3F9F] =	sst s1;
	(tag) =	ssettag s2;
	_ =	strace s9  }
0x27: {  	s1 =	sld [smem:$0x3FAF]  }
0x28: {  	s2 =	sld [smem:$0x3FB0]  }
0x29: {  	s4 =	sld [smem:$0x3FB2]  }
0x2a: {  	p0 =	seq.s32 s5, $0x0;
	s5 =	sld [smem:$0x3FB3]  }
0x2b: {  	s6 =	sld [smem:$0x3FB4]  }
0x2c: {  	s7 =	sld [smem:$0x3FB5]  }
0x2d: {  	s3 =	simm.s32 $0x108;
	s8 =	sld [smem:$0x3FB6]  }
0x2e: {  	s3 =	simm.s32 @!p0 $0x1082;
	s9 =	sld [smem:$0x3FB7]  }
0x2f: {  	lr =	sadd.s32 s0, s3;
	s0 =	sld [smem:$0x3FAE]  }
0x30: {  	s3 =	sld [smem:$0x3FB1]  }
0x31: {  	[smem:$0x3FBA] =	sst s10  }
0x32: {  	s10 =	sld [smem:$0x3FB8];
	_ =	sdelay $0x3  }
0x33: {  	p0 =	seq.s32 s10, $0x1;
	s10 =	sld [smem:$0x3FBA];
	_ =	sdelay $0x3  }
0x34: {  	[smem:$0x3FBA] =	sst s10  }
0x35: {  	s10 =	sld [smem:$0x3FB9];
	_ =	sdelay $0x3  }
0x36: {  	p1 =	seq.s32 s10, $0x1;
	s10 =	sld [smem:$0x3FBA];
	_ =	sdelay $0x3  }
0x37: {  	[smem:$0x3FBA] =	sst s10  }
0x38: {  	s10 =	sld [smem:$0x3FBB]  }
0x39: {  	_ = 	snop;
	(pc) =	sbr.ind lr, $3  }
0x3a: {  	_ = 	snop  }
0x3b: {  	_ = 	snop  }
0x3c: {  	p2 =	seq.s32 s10, $0x1;
	s10 =	sld [smem:$0x3FBA]  }
0x3d: {  	_ =	shalt  }
0x3e: {  	_ =	shalt  }
0x3f: {  	_ =	shalt  }
0x40: {  	_ =	shalt  }
0x41: {  	_ =	shalt  }
0x42: {  	_ =	shalt  }
0x43: {  	_ =	shalt  }
0x44: {  	_ =	shalt  }
0x45: {  	_ =	shalt  }
0x46: {  	_ =	shalt  }
0x47: {  	_ =	shalt  }
0x48: {  	_ =	shalt  }
0x49: {  	_ =	shalt  }
0x4a: {  	_ =	shalt  }
0x4b: {  	_ =	shalt  }
0x4c: {  	_ =	shalt  }
0x4d: {  	_ =	shalt  }
0x4e: {  	_ =	shalt  }
0x4f: {  	_ =	shalt  }
0x50: {  	_ =	shalt  }
0x51: {  	_ =	shalt  }
0x52: {  	_ =	shalt  }
0x53: {  	_ =	shalt  }
0x54: {  	_ =	shalt  }
0x55: {  	_ =	shalt  }
0x56: {  	_ =	shalt  }
0x57: {  	_ =	shalt  }
0x58: {  	_ =	shalt  }
0x59: {  	_ =	shalt  }
0x5a: {  	_ =	shalt  }
0x5b: {  	_ =	shalt  }
0x5c: {  	_ =	shalt  }
0x5d: {  	_ =	shalt  }
0x5e: {  	_ =	shalt  }
0x5f: {  	_ =	shalt  }
0x60: {  	_ =	shalt  }
0x61: {  	_ =	shalt  }
0x62: {  	_ =	shalt  }
0x63: {  	_ =	shalt  }
0x64: {  	_ =	shalt  }
0x65: {  	_ =	shalt  }
0x66: {  	_ =	shalt  }
0x67: {  	_ =	shalt  }
0x68: {  	_ =	shalt  }
0x69: {  	_ =	shalt  }
0x6a: {  	_ =	shalt  }
0x6b: {  	_ =	shalt  }
0x6c: {  	_ =	shalt  }
0x6d: {  	_ =	shalt  }
0x6e: {  	_ =	shalt  }
0x6f: {  	_ =	shalt  }
0x70: {  	_ =	shalt  }
0x71: {  	_ =	shalt  }
0x72: {  	_ =	shalt  }
0x73: {  	_ =	shalt  }
0x74: {  	_ =	shalt  }
0x75: {  	_ =	shalt  }
0x76: {  	_ =	shalt  }
0x77: {  	_ =	shalt  }
0x78: {  	_ =	shalt  }
0x79: {  	_ =	shalt  }
0x7a: {  	_ =	shalt  }
0x7b: {  	_ =	shalt  }
0x7c: {  	_ =	shalt  }
0x7d: {  	_ =	shalt  }
0x7e: {  	_ =	shalt  }
0x7f: {  	_ =	shalt  }
0x80: {  	_ =	shalt  }
0x81: {  	_ =	shalt  }
0x82: {  	_ =	shalt  }
0x83: {  	_ =	shalt  }
0x84: {  	_ =	shalt  }
0x85: {  	_ =	shalt  }
0x86: {  	_ =	shalt  }
0x87: {  	_ =	shalt  }
.Lfunc_end0:
.L_simem_size_0:
called_computation_lowered:
.L_overlay_start_0:
0x88: {  	s2 =	sld [smem:$0x3FD9]  }
0x89: {  	s3 =	sld [smem:$0x3FFE];
	_ =	sdelay $0x1  }
0x8a: {  	s1 =	srdreg.scid  }
0x8b: {  	s0 =	sand.u32 $0x1, s1  }
0x8c: {  	s17 =	sshll.u32 s0, $0xA;
	s2 =	sadd.s32 s3, s2  }
0x8d: {  	s2 =	sadd.s32 s2, s17  }
0x8e: {  	[smem:$0x3FC6] =	sst s2  }
0x8f: {  	_ = 	snop  }
0x90: {  	s2 =	sld [smem:$0x3FC8]  }
0x91: {  	s18 =	sld [smem:$0x3FD0];
	(tm) =	ssettm $0x1  }
0x92: {  	s4 =	sld [smem:$0x3FFB];
	_ =	sdelay $0x3  }
0x93: {  	_ =	strace s4  }
0x94: {  	s4 =	sld [smem:$0x3FFC];
	_ =	sdelay $0x3  }
0x95: {  	_ =	strace s4  }
0x96: {  	s4 =	sld [smem:$0x3FFD];
	_ =	sdelay $0x3  }
0x97: {  	_ =	strace s4  }
0x98: {  	_ =	strace $0x8FFFFFFF  }
0x99: {  	s19 =	sld [smem:$0x3FDB];
	_ =	sdelay $0x1  }
0x9a: {  	s5 =	simm.s32 $_scs_section_size  }
0x9b: {  	s6 =	simm.s32 $_size__tile_overlayer_lowered;
	s7 =	simm.s32 $_tile_overlayer_lowered  }
0x9c: {  	s22 =	simm.s32 $0x1BFF;
	s21 =	sshll.u32 s7, $0x1;
	s4 =	sadd.s32 s5, s19  }
0x9d: {  	s8 =	simm.s32 $0x0;
	s20 =	sshll.u32 s6, $0x1;
	s6 =	sadd.s32 s21, s4  }
0x9e: {  	[timem:s8], [sflag:s22] =	dma.local [hbm:s6], s20  }
0x9f: {  	_ =	swait.ge [sflag:s22], s20  }
0xa0: {  	s5 =	ssub.s32 $0x0, s20;
	[sflag:s22] =	ssyncset.done $0x0  }
0xa1: {  	[sflag:s22] =	ssyncadd.s32 s5;
	_ =	sdelay $0x1  }
0xa2: {  	s23 =	simm.s32 $0x1B8B  }
0xa3: {  	_ =	swait.ge [sflag:s23], $0x1  }
0xa4: {  	[sflag:s23] =	ssyncset.done $0x0  }
0xa5: {  	s25 =	simm.s32 $0x1B8E;
	s24 =	sld [smem:$0x3FFE];
	[sflag:s23] =	ssyncadd.s32 $0xFFFFFFFF  }
0xa6: {  	s26 =	simm.s32 $execute0_lowered;
	[smem:$0x3FD2] =	sst s25  }
0xa7: {  	s6 =	sshll.u32 s26, $0x1;
	_ =	strace $0x80000046;
	[dreg:$0x1] =	wrdreg $0xFFFFFFFF  }
0xa8: {  	s28 =	simm.s32 $_size_execute0_lowered;
	s4 =	sadd.s32 s4, s6;
	[dreg:$0x0] =	wrdreg $0x0  }
0xa9: {  	s6 =	sshll.u32 s28, $0x1;
	[dreg:$0x2] =	wrdreg s4  }
0xaa: {  	[dreg:$0x3] =	wrdreg s6  }
0xab: {  	[dreg:$0x4] =	wrdreg $0xC0  }
0xac: {  	_ =	task [dreg:s8], $0x5FFFF  }
0xad: {  	[dreg:$0x1] =	wrdreg $0xFFFFFFFF  }
0xae: {  	[dreg:$0x0] =	wrdreg $0x60  }
0xaf: {  	[dreg:$0x2] =	wrdreg s24  }
0xb0: {  	[dreg:$0x3] =	wrdreg s2  }
0xb1: {  	[dreg:$0x4] =	wrdreg s18  }
0xb2: {  	[dreg:$0x5] =	wrdreg $0x9  }
0xb3: {  	_ =	task.clear_ibuf [dreg:s8], $0x6FFFF;
	_ =	strace $0x90000046  }
0xb4: {  	s29 =	simm.s32 $0x9;
	_ =	strace $0x80000048  }
0xb5: {  	_ =	swait.ge [sflag:s29], $0x1  }
0xb6: {  	[sflag:s29] =	ssyncadd.s32 $0xFFFFFFFF  }
0xb7: {  	_ =	strace $0x90000048  }
0xb8: {  	_ =	sfence  }
0xb9: {  	s30 =	sld [smem:$0x0];
	_ =	sdelay $0x2  }
0xba: {  	s31 =	sshll.u32 s1, $0xD;
	s1 =	sshrl.u32 s1, $0x2  }
0xbb: {  	s3 =	sand.u32 $0x4000, s31;
	s1 =	sadd.s32 s1, s30  }
0xbc: {  	s0 =	sor.u32 s3, s0;
	s1 =	sshll.u32 s1, $0x11  }
0xbd: {  	s0 =	sor.u32 s1, s0  }
0xbe: {  	s0 =	sadd.s32 $0x8F2B, s0  }
0xbf: {  	[sflag:s0] =	ssyncadd.remote.s32 $0x1  }
0xc0: {  	_ =	sfence.sel $0xFFFF  }
0xc1: {  	[dreg:$0x0] =	wrdreg $0xFFFFFFFF;
	(pc) =	sbr.abs _section_cstart, $3  }
0xc2: {  	[dreg:$0x1] =	wrdreg $0xFFFFFFFF  }
0xc3: {  	_ =	task.clear_ibuf [dreg:s8], $0x2FFFF;
	_ =	strace $0x9FFFFFFF  }
0xc4: {  	(tm) =	ssettm $0x7FFFFFFF  }
0xc5: {  	_ =	shalt  }
tec
execute0_lowered:
.L_overlay_start_1:
0x0: {  	(tag) =	ssettag $0x1  }
0x1: {  	s0 =	rddreg [dreg:$0x0];
	s1 =	srdreg.scid  }
0x2: {  	s3 =	stileid.u32;
	s2 =	rddreg [dreg:$0x1];
	s11 =	simm.s32 $0x40  }
0x3: {  	s15 =	simm.s32 $0x1;
	s17 =	simm.s32 $0x2;
	s18 =	simm.s32 $0x9400  }
0x4: {  	s19 =	simm.s32 $0x3;
	s20 =	simm.s32 $0xB400;
	s21 =	simm.s32 $0x4  }
0x5: {  	s22 =	simm.s32 $0xD400;
	s23 =	simm.s32 $0x5;
	s28 =	simm.s32 $0x7  }
0x6: {  	s29 =	simm.s32 $0x13400;
	s1 =	sand.u32 $0x1, s1;
	s4 =	sshll.u32 s3, $0x1  }
0x7: {  	s30 =	simm.s32 $0x8;
	s31 =	simm.s32 $0x15400;
	s5 =	sor.u32 s1, s4  }
0x8: {  	s3 =	rddreg [dreg:$0x2];
	s4 =	simm.s32 $0x0;
	s6 =	smul.u32 $0x680, s5  }
0x9: {  	s1 =	ssub.s32 $0x2, s1;
	[smem:$0x7FF] =	sst s4;
	s7 =	smul.u32 $0x1900, s5  }
0xa: {  	s24 =	sshrl.u32 s1, $0x1;
	s8 =	smul.u32 $0xC8000, s5;
	_ =	strace $0x80000047  }
0xb: {  	s1 =	ssub.s32 s1, s24;
	s24 =	simm.s32 $0xF400;
	s0 =	sadd.s32 s6, s0  }
0xc: {  	s16 =	smov.u32 s7;
	s25 =	sor.u32 $0x40, s7;
	s26 =	smax.u32 s1, $0x1  }
0xd: {  	s1 =	simm.s32 $0x9;
	s7 =	simm.s32 $0x0;
	[dreg:$0x5] =	wrdreg s25  }
0xe: {  	s0 =	sadd.s32 $0x400, s0;
	[dreg:$0x6] =	wrdreg s26;
	s25 =	simm.s32 $0x6  }
0xf: {  	s26 =	simm.s32 $0x11400;
	[dreg:$0x4] =	wrdreg s0;
	s0 =	simm.s32 $0xA  }
.LBB2_1:
0x10: {  	[dreg:$0x7] =	wrdreg s7  }
0x11: {  	s5 =	rddreg [dreg:$0x4];
	s12 =	simm.s32 $0x15  }
0x12: {  	[tilespmem:s4], [sflag:$0x15] =	stream.linear.gather [hbm4b:s5+s4], $0x3200, $0x38;
	[tilespmem:$0x17400] =	vst v63  }
0x13: {  	_ =	swait.ge [sflag:s12], $0x3200  }
0x14: {  	[sflag:s12] =	ssyncset.done $0x0  }
0x15: {  	s13 =	simm.s32 $0x3400;
	[sflag:s12] =	ssyncadd.s32 $0xFFFFCE00  }
0x16: {  	[tilespmem:s13], [sflag:$0x1] =	stream.indirect.gather [hbm4b:s2+s11], $0x80, s4, s11, $0xb8;
	[tilespmem:$0x17400] =	vst v63  }
0x17: {  	s14 =	simm.s32 $0x80;
	s6 =	simm.s32 $0x5400;
	s10 =	simm.s32 $0x0  }
0x18: {  	[tilespmem:s6], [sflag:$0x2] =	stream.indirect.gather [hbm4b:s2+s11], $0x80, s14, s11, $0xb8;
	[tilespmem:$0x17400] =	vst v63  }
.LBB2_2:
0x19: {  	_ =	swait.ge [sflag:s15], $0x2000  }
0x1a: {  	s13 =	smul.u32 $0xA, s10;
	p0 =	seq.s32 s10, $0x0;
	[sflag:s15] =	ssyncset.done $0x0  }
0x1b: {  	s5 =	simm.s32 @!p0 $0xD;
	[sflag:s15] =	ssyncadd.s32 $0xFFFFE000  }
0x1c: {  	s9 =	sadd.s32 $0x2, s13;
	_ =	swait.ge @!p0 [sflag:s5], $0x2000  }
0x1d: {  	s6 =	sshll.u32 s9, $0x7;
	[sflag:s5] =	ssyncset.done @!p0 $0x0  }
0x1e: {  	s14 =	simm.s32 $0x7400;
	s12 =	sand.u32 $0x3FFFFF80, s6;
	[sflag:s5] =	ssyncadd.s32 @!p0 $0xFFFFE000  }
0x1f: {  	[tilespmem:s14], [sflag:$0x3] =	stream.indirect.gather [hbm4b:s2+s11], $0x80, s12, s11, $0xb8;
	[tilespmem:$0x17400] =	vst v63  }
0x20: {  	s12 =	simm.s32 $0x0  }
0x21: {  	v2 =	vld [tilespmem:s12+$0x3400]  }
0x22: {  	v5 =	vld [tilespmem:s12+$0x3410]  }
0x23: {  	v4 =	vld [tilespmem:s12+$0x3420]  }
0x24: {  	v3 =	vld [tilespmem:s12+$0x3430]  }
0x25: {  	v0 =	vld [tilespmem:s12+$0x3440]  }
0x26: {  	v1 =	vld [tilespmem:s12+$0x3450];
	v6 =	vmul.f32 $1.131370830e+01, v2  }
0x27: {  	s6 =	simm.s32 $0x200;
	v5 =	vmul.f32 $1.131370830e+01, v5;
	v2 =	vld [tilespmem:s12+$0x3460]  }
.LBB2_3:
0x28: {  	s5 =	sshra.s32 s6, $0x2;
	p1 =	sne.s32 s6, $0x7E00;
	[tilespmem:s12+$0x3400] =	vst v6;
	v4 =	vmul.f32 $1.131370830e+01, v4;
	v6 =	vld [tilespmem:s12+$0x3470]  }
0x29: {  	v7 =	vld [tilespmem:s5+$0x3400];
	[tilespmem:s12+$0x3410] =	vst v5;
	v3 =	vmul.f32 $1.131370830e+01, v3  }
0x2a: {  	v5 =	vld [tilespmem:s5+$0x3410];
	[tilespmem:s12+$0x3420] =	vst v4;
	v0 =	vmul.f32 $1.131370830e+01, v0  }
.Ltmp0:
0x2b: {  	v4 =	vld [tilespmem:s5+$0x3420];
	[tilespmem:s12+$0x3430] =	vst v3;
	v1 =	vmul.f32 $1.131370830e+01, v1;
	(pc) =	sbr.rel @p1 .LBB2_3-.Ltmp0, $4  }
0x2c: {  	v3 =	vld [tilespmem:s5+$0x3430];
	[tilespmem:s12+$0x3440] =	vst v0;
	v2 =	vmul.f32 $1.131370830e+01, v2  }
0x2d: {  	v0 =	vld [tilespmem:s5+$0x3440];
	[tilespmem:s12+$0x3450] =	vst v1;
	v8 =	vmul.f32 $1.131370830e+01, v6  }
0x2e: {  	v6 =	vmul.f32 $1.131370830e+01, v7;
	v1 =	vld [tilespmem:s5+$0x3450];
	[tilespmem:s12+$0x3460] =	vst v2  }
0x2f: {  	s6 =	sadd.s32 $0x200, s6;
	v5 =	vmul.f32 $1.131370830e+01, v5;
	v2 =	vld [tilespmem:s5+$0x3460];
	[tilespmem:s12+$0x3470] =	vst v8;
	s12 =	smov.u32 s5  }
0x30: {  	[tilespmem:s12+$0x3400] =	vst v6;
	v4 =	vmul.f32 $1.131370830e+01, v4;
	v6 =	vld [tilespmem:s12+$0x3470]  }
0x31: {  	[tilespmem:s12+$0x3410] =	vst v5;
	v3 =	vmul.f32 $1.131370830e+01, v3  }
0x32: {  	[tilespmem:s12+$0x3420] =	vst v4;
	v0 =	vmul.f32 $1.131370830e+01, v0  }
0x33: {  	s6 =	smul.u32 $0x280, s10;
	[tilespmem:s12+$0x3430] =	vst v3;
	v1 =	vmul.f32 $1.131370830e+01, v1  }
0x34: {  	[tilespmem:s12+$0x3440] =	vst v0;
	v0 =	vmul.f32 $1.131370830e+01, v2  }
0x35: {  	s5 =	sadd.s32 s16, s6;
	[tilespmem:s12+$0x3450] =	vst v1;
	v1 =	vmul.f32 $1.131370830e+01, v6  }
0x36: {  	s5 =	sshll.u32 s5, $0x4;
	[tilespmem:s12+$0x3460] =	vst v0  }
0x37: {  	s7 =	simm.s32 $0x3400;
	s5 =	sadd.s32 s3, s5;
	[tilespmem:s12+$0x3470] =	vst v1  }
0x38: {  	[hbm4b:s5+s4] =	stream.linear.scatter [tilespmem:s7], [sflag:$0xB], $0x2000, $0x38;
	[tilespmem:$0x17400] =	vst v63  }
0x39: {  	_ =	swait.ge [sflag:s17], $0x2000  }
0x3a: {  	[sflag:s17] =	ssyncset.done $0x0  }
0x3b: {  	s5 =	simm.s32 @!p0 $0xE;
	[sflag:s17] =	ssyncadd.s32 $0xFFFFE000  }
0x3c: {  	s12 =	sadd.s32 $0x3, s13;
	_ =	swait.ge @!p0 [sflag:s5], $0x2000  }
0x3d: {  	s14 =	sshll.u32 s12, $0x7;
	[sflag:s5] =	ssyncset.done @!p0 $0x0  }
0x3e: {  	s14 =	sand.u32 $0x3FFFFF80, s14;
	[sflag:s5] =	ssyncadd.s32 @!p0 $0xFFFFE000  }
0x3f: {  	[tilespmem:s18], [sflag:$0x4] =	stream.indirect.gather [hbm4b:s2+s11], $0x80, s14, s11, $0xb8;
	[tilespmem:$0x17400] =	vst v63  }
0x40: {  	s14 =	simm.s32 $0x0  }
0x41: {  	v3 =	vld [tilespmem:s14+$0x5400]  }
0x42: {  	v5 =	vld [tilespmem:s14+$0x5410]  }
0x43: {  	v4 =	vld [tilespmem:s14+$0x5420]  }
0x44: {  	v2 =	vld [tilespmem:s14+$0x5430]  }
0x45: {  	v0 =	vld [tilespmem:s14+$0x5440]  }
0x46: {  	v1 =	vld [tilespmem:s14+$0x5450];
	v6 =	vmul.f32 $1.131370830e+01, v3  }
0x47: {  	s5 =	simm.s32 $0x200;
	v5 =	vmul.f32 $1.131370830e+01, v5;
	v3 =	vld [tilespmem:s14+$0x5460]  }
.LBB2_5:
0x48: {  	s7 =	sshra.s32 s5, $0x2;
	p1 =	sne.s32 s5, $0x7E00;
	[tilespmem:s14+$0x5400] =	vst v6;
	v4 =	vmul.f32 $1.131370830e+01, v4;
	v6 =	vld [tilespmem:s14+$0x5470]  }
0x49: {  	v7 =	vld [tilespmem:s7+$0x5400];
	[tilespmem:s14+$0x5410] =	vst v5;
	v2 =	vmul.f32 $1.131370830e+01, v2  }
0x4a: {  	v5 =	vld [tilespmem:s7+$0x5410];
	[tilespmem:s14+$0x5420] =	vst v4;
	v0 =	vmul.f32 $1.131370830e+01, v0  }
.Ltmp1:
0x4b: {  	v4 =	vld [tilespmem:s7+$0x5420];
	[tilespmem:s14+$0x5430] =	vst v2;
	v1 =	vmul.f32 $1.131370830e+01, v1;
	(pc) =	sbr.rel @p1 .LBB2_5-.Ltmp1, $4  }
0x4c: {  	v2 =	vld [tilespmem:s7+$0x5430];
	[tilespmem:s14+$0x5440] =	vst v0;
	v3 =	vmul.f32 $1.131370830e+01, v3  }
0x4d: {  	v0 =	vld [tilespmem:s7+$0x5440];
	[tilespmem:s14+$0x5450] =	vst v1;
	v8 =	vmul.f32 $1.131370830e+01, v6  }
0x4e: {  	v6 =	vmul.f32 $1.131370830e+01, v7;
	v1 =	vld [tilespmem:s7+$0x5450];
	[tilespmem:s14+$0x5460] =	vst v3  }
0x4f: {  	s5 =	sadd.s32 $0x200, s5;
	v5 =	vmul.f32 $1.131370830e+01, v5;
	v3 =	vld [tilespmem:s7+$0x5460];
	[tilespmem:s14+$0x5470] =	vst v8;
	s14 =	smov.u32 s7  }
0x50: {  	[tilespmem:s14+$0x5400] =	vst v6;
	v4 =	vmul.f32 $1.131370830e+01, v4;
	v6 =	vld [tilespmem:s14+$0x5470]  }
0x51: {  	[tilespmem:s14+$0x5410] =	vst v5;
	v2 =	vmul.f32 $1.131370830e+01, v2  }
0x52: {  	[tilespmem:s14+$0x5420] =	vst v4;
	v0 =	vmul.f32 $1.131370830e+01, v0  }
0x53: {  	[tilespmem:s14+$0x5430] =	vst v2;
	v1 =	vmul.f32 $1.131370830e+01, v1  }
0x54: {  	s5 =	rddreg [dreg:$0x5];
	[tilespmem:s14+$0x5440] =	vst v0;
	v0 =	vmul.f32 $1.131370830e+01, v3  }
0x55: {  	s5 =	sadd.s32 s6, s5;
	[tilespmem:s14+$0x5450] =	vst v1;
	v1 =	vmul.f32 $1.131370830e+01, v6  }
0x56: {  	s5 =	sshll.u32 s5, $0x4;
	[tilespmem:s14+$0x5460] =	vst v0  }
0x57: {  	s7 =	simm.s32 $0x5400;
	s5 =	sadd.s32 s3, s5;
	[tilespmem:s14+$0x5470] =	vst v1  }
0x58: {  	[hbm4b:s5+s4] =	stream.linear.scatter [tilespmem:s7], [sflag:$0xC], $0x2000, $0x38;
	[tilespmem:$0x17400] =	vst v63  }
0x59: {  	_ =	swait.ge [sflag:s19], $0x2000  }
0x5a: {  	[sflag:s19] =	ssyncset.done $0x0  }
0x5b: {  	s5 =	simm.s32 @!p0 $0xF;
	[sflag:s19] =	ssyncadd.s32 $0xFFFFE000  }
0x5c: {  	s6 =	sadd.s32 $0x4, s13;
	_ =	swait.ge @!p0 [sflag:s5], $0x2000  }
0x5d: {  	s7 =	sshll.u32 s6, $0x7;
	[sflag:s5] =	ssyncset.done @!p0 $0x0  }
0x5e: {  	s14 =	sand.u32 $0x3FFFFF80, s7;
	[sflag:s5] =	ssyncadd.s32 @!p0 $0xFFFFE000  }
0x5f: {  	[tilespmem:s20], [sflag:$0x5] =	stream.indirect.gather [hbm4b:s2+s11], $0x80, s14, s11, $0xb8;
	[tilespmem:$0x17400] =	vst v63  }
0x60: {  	s14 =	simm.s32 $0x0  }
0x61: {  	v3 =	vld [tilespmem:s14+$0x7400]  }
0x62: {  	v5 =	vld [tilespmem:s14+$0x7410]  }
0x63: {  	v4 =	vld [tilespmem:s14+$0x7420]  }
0x64: {  	v2 =	vld [tilespmem:s14+$0x7430]  }
0x65: {  	v0 =	vld [tilespmem:s14+$0x7440]  }
0x66: {  	v1 =	vld [tilespmem:s14+$0x7450];
	v6 =	vmul.f32 $1.131370830e+01, v3  }
0x67: {  	s5 =	simm.s32 $0x200;
	v5 =	vmul.f32 $1.131370830e+01, v5;
	v3 =	vld [tilespmem:s14+$0x7460]  }
.LBB2_7:
0x68: {  	s7 =	sshra.s32 s5, $0x2;
	p1 =	sne.s32 s5, $0x7E00;
	[tilespmem:s14+$0x7400] =	vst v6;
	v4 =	vmul.f32 $1.131370830e+01, v4;
	v6 =	vld [tilespmem:s14+$0x7470]  }
0x69: {  	v7 =	vld [tilespmem:s7+$0x7400];
	[tilespmem:s14+$0x7410] =	vst v5;
	v2 =	vmul.f32 $1.131370830e+01, v2  }
0x6a: {  	v5 =	vld [tilespmem:s7+$0x7410];
	[tilespmem:s14+$0x7420] =	vst v4;
	v0 =	vmul.f32 $1.131370830e+01, v0  }
.Ltmp2:
0x6b: {  	v4 =	vld [tilespmem:s7+$0x7420];
	[tilespmem:s14+$0x7430] =	vst v2;
	v1 =	vmul.f32 $1.131370830e+01, v1;
	(pc) =	sbr.rel @p1 .LBB2_7-.Ltmp2, $4  }
0x6c: {  	v2 =	vld [tilespmem:s7+$0x7430];
	[tilespmem:s14+$0x7440] =	vst v0;
	v3 =	vmul.f32 $1.131370830e+01, v3  }
0x6d: {  	v0 =	vld [tilespmem:s7+$0x7440];
	[tilespmem:s14+$0x7450] =	vst v1;
	v8 =	vmul.f32 $1.131370830e+01, v6  }
0x6e: {  	v6 =	vmul.f32 $1.131370830e+01, v7;
	v1 =	vld [tilespmem:s7+$0x7450];
	[tilespmem:s14+$0x7460] =	vst v3  }
0x6f: {  	s5 =	sadd.s32 $0x200, s5;
	v5 =	vmul.f32 $1.131370830e+01, v5;
	v3 =	vld [tilespmem:s7+$0x7460];
	[tilespmem:s14+$0x7470] =	vst v8;
	s14 =	smov.u32 s7  }
0x70: {  	[tilespmem:s14+$0x7400] =	vst v6;
	v4 =	vmul.f32 $1.131370830e+01, v4;
	v6 =	vld [tilespmem:s14+$0x7470]  }
0x71: {  	[tilespmem:s14+$0x7410] =	vst v5;
	v2 =	vmul.f32 $1.131370830e+01, v2  }
0x72: {  	[tilespmem:s14+$0x7420] =	vst v4;
	v0 =	vmul.f32 $1.131370830e+01, v0  }
0x73: {  	[tilespmem:s14+$0x7430] =	vst v2;
	v1 =	vmul.f32 $1.131370830e+01, v1  }
0x74: {  	s5 =	sshll.u32 s9, $0xD;
	[tilespmem:s14+$0x7440] =	vst v0;
	v0 =	vmul.f32 $1.131370830e+01, v3  }
0x75: {  	s5 =	sadd.s32 s8, s5;
	[tilespmem:s14+$0x7450] =	vst v1;
	v1 =	vmul.f32 $1.131370830e+01, v6  }
0x76: {  	s5 =	sshrl.u32 s5, $0x3;
	[tilespmem:s14+$0x7460] =	vst v0  }
0x77: {  	s7 =	simm.s32 $0x7400;
	s5 =	sadd.s32 s3, s5;
	[tilespmem:s14+$0x7470] =	vst v1  }
0x78: {  	[hbm4b:s5+s4] =	stream.linear.scatter [tilespmem:s7], [sflag:$0xD], $0x2000, $0x38;
	[tilespmem:$0x17400] =	vst v63  }
0x79: {  	_ =	swait.ge [sflag:s21], $0x2000  }
0x7a: {  	[sflag:s21] =	ssyncset.done $0x0  }
0x7b: {  	s5 =	simm.s32 @!p0 $0x10;
	[sflag:s21] =	ssyncadd.s32 $0xFFFFE000  }
0x7c: {  	s9 =	sadd.s32 $0x5, s13;
	_ =	swait.ge @!p0 [sflag:s5], $0x2000  }
0x7d: {  	s14 =	sshll.u32 s9, $0x7;
	[sflag:s5] =	ssyncset.done @!p0 $0x0  }
0x7e: {  	s14 =	sand.u32 $0x3FFFFF80, s14;
	[sflag:s5] =	ssyncadd.s32 @!p0 $0xFFFFE000  }
0x7f: {  	[tilespmem:s22], [sflag:$0x6] =	stream.indirect.gather [hbm4b:s2+s11], $0x80, s14, s11, $0xb8;
	[tilespmem:$0x17400] =	vst v63  }
0x80: {  	s14 =	simm.s32 $0x0  }
0x81: {  	v3 =	vld [tilespmem:s14+$0x9400]  }
0x82: {  	v5 =	vld [tilespmem:s14+$0x9410]  }
0x83: {  	v4 =	vld [tilespmem:s14+$0x9420]  }
0x84: {  	v2 =	vld [tilespmem:s14+$0x9430]  }
0x85: {  	v0 =	vld [tilespmem:s14+$0x9440]  }
0x86: {  	v1 =	vld [tilespmem:s14+$0x9450];
	v6 =	vmul.f32 $1.131370830e+01, v3  }
0x87: {  	s5 =	simm.s32 $0x200;
	v5 =	vmul.f32 $1.131370830e+01, v5;
	v3 =	vld [tilespmem:s14+$0x9460]  }
.LBB2_9:
0x88: {  	s7 =	sshra.s32 s5, $0x2;
	p1 =	sne.s32 s5, $0x7E00;
	[tilespmem:s14+$0x9400] =	vst v6;
	v4 =	vmul.f32 $1.131370830e+01, v4;
	v6 =	vld [tilespmem:s14+$0x9470]  }
0x89: {  	v7 =	vld [tilespmem:s7+$0x9400];
	[tilespmem:s14+$0x9410] =	vst v5;
	v2 =	vmul.f32 $1.131370830e+01, v2  }
0x8a: {  	v5 =	vld [tilespmem:s7+$0x9410];
	[tilespmem:s14+$0x9420] =	vst v4;
	v0 =	vmul.f32 $1.131370830e+01, v0  }
.Ltmp3:
0x8b: {  	v4 =	vld [tilespmem:s7+$0x9420];
	[tilespmem:s14+$0x9430] =	vst v2;
	v1 =	vmul.f32 $1.131370830e+01, v1;
	(pc) =	sbr.rel @p1 .LBB2_9-.Ltmp3, $4  }
0x8c: {  	v2 =	vld [tilespmem:s7+$0x9430];
	[tilespmem:s14+$0x9440] =	vst v0;
	v3 =	vmul.f32 $1.131370830e+01, v3  }
0x8d: {  	v0 =	vld [tilespmem:s7+$0x9440];
	[tilespmem:s14+$0x9450] =	vst v1;
	v8 =	vmul.f32 $1.131370830e+01, v6  }
0x8e: {  	v6 =	vmul.f32 $1.131370830e+01, v7;
	v1 =	vld [tilespmem:s7+$0x9450];
	[tilespmem:s14+$0x9460] =	vst v3  }
0x8f: {  	s5 =	sadd.s32 $0x200, s5;
	v5 =	vmul.f32 $1.131370830e+01, v5;
	v3 =	vld [tilespmem:s7+$0x9460];
	[tilespmem:s14+$0x9470] =	vst v8;
	s14 =	smov.u32 s7  }
0x90: {  	[tilespmem:s14+$0x9400] =	vst v6;
	v4 =	vmul.f32 $1.131370830e+01, v4;
	v6 =	vld [tilespmem:s14+$0x9470]  }
0x91: {  	[tilespmem:s14+$0x9410] =	vst v5;
	v2 =	vmul.f32 $1.131370830e+01, v2  }
0x92: {  	[tilespmem:s14+$0x9420] =	vst v4;
	v0 =	vmul.f32 $1.131370830e+01, v0  }
0x93: {  	[tilespmem:s14+$0x9430] =	vst v2;
	v1 =	vmul.f32 $1.131370830e+01, v1  }
0x94: {  	s5 =	sshll.u32 s12, $0xD;
	[tilespmem:s14+$0x9440] =	vst v0;
	v0 =	vmul.f32 $1.131370830e+01, v3  }
0x95: {  	s5 =	sadd.s32 s8, s5;
	[tilespmem:s14+$0x9450] =	vst v1;
	v1 =	vmul.f32 $1.131370830e+01, v6  }
0x96: {  	s5 =	sshrl.u32 s5, $0x3;
	[tilespmem:s14+$0x9460] =	vst v0  }
0x97: {  	s5 =	sadd.s32 s3, s5;
	[tilespmem:s14+$0x9470] =	vst v1  }
0x98: {  	[hbm4b:s5+s4] =	stream.linear.scatter [tilespmem:s18], [sflag:$0xE], $0x2000, $0x38;
	[tilespmem:$0x17400] =	vst v63  }
0x99: {  	_ =	swait.ge [sflag:s23], $0x2000  }
0x9a: {  	[sflag:s23] =	ssyncset.done $0x0  }
0x9b: {  	s5 =	simm.s32 @!p0 $0x11;
	[sflag:s23] =	ssyncadd.s32 $0xFFFFE000  }
0x9c: {  	s12 =	sadd.s32 $0x6, s13;
	_ =	swait.ge @!p0 [sflag:s5], $0x2000  }
0x9d: {  	s7 =	sshll.u32 s12, $0x7;
	[sflag:s5] =	ssyncset.done @!p0 $0x0  }
0x9e: {  	s14 =	sand.u32 $0x3FFFFF80, s7;
	[sflag:s5] =	ssyncadd.s32 @!p0 $0xFFFFE000  }
0x9f: {  	[tilespmem:s24], [sflag:$0x7] =	stream.indirect.gather [hbm4b:s2+s11], $0x80, s14, s11, $0xb8;
	[tilespmem:$0x17400] =	vst v63  }
0xa0: {  	s14 =	simm.s32 $0x0  }
0xa1: {  	v3 =	vld [tilespmem:s14+$0xB400]  }
0xa2: {  	v5 =	vld [tilespmem:s14+$0xB410]  }
0xa3: {  	v4 =	vld [tilespmem:s14+$0xB420]  }
0xa4: {  	v2 =	vld [tilespmem:s14+$0xB430]  }
0xa5: {  	v0 =	vld [tilespmem:s14+$0xB440]  }
0xa6: {  	v1 =	vld [tilespmem:s14+$0xB450];
	v6 =	vmul.f32 $1.131370830e+01, v3  }
0xa7: {  	s5 =	simm.s32 $0x200;
	v5 =	vmul.f32 $1.131370830e+01, v5;
	v3 =	vld [tilespmem:s14+$0xB460]  }
.LBB2_11:
0xa8: {  	s7 =	sshra.s32 s5, $0x2;
	p1 =	sne.s32 s5, $0x7E00;
	[tilespmem:s14+$0xB400] =	vst v6;
	v4 =	vmul.f32 $1.131370830e+01, v4;
	v6 =	vld [tilespmem:s14+$0xB470]  }
0xa9: {  	v7 =	vld [tilespmem:s7+$0xB400];
	[tilespmem:s14+$0xB410] =	vst v5;
	v2 =	vmul.f32 $1.131370830e+01, v2  }
0xaa: {  	v5 =	vld [tilespmem:s7+$0xB410];
	[tilespmem:s14+$0xB420] =	vst v4;
	v0 =	vmul.f32 $1.131370830e+01, v0  }
.Ltmp4:
0xab: {  	v4 =	vld [tilespmem:s7+$0xB420];
	[tilespmem:s14+$0xB430] =	vst v2;
	v1 =	vmul.f32 $1.131370830e+01, v1;
	(pc) =	sbr.rel @p1 .LBB2_11-.Ltmp4, $4  }
0xac: {  	v2 =	vld [tilespmem:s7+$0xB430];
	[tilespmem:s14+$0xB440] =	vst v0;
	v3 =	vmul.f32 $1.131370830e+01, v3  }
0xad: {  	v0 =	vld [tilespmem:s7+$0xB440];
	[tilespmem:s14+$0xB450] =	vst v1;
	v8 =	vmul.f32 $1.131370830e+01, v6  }
0xae: {  	v6 =	vmul.f32 $1.131370830e+01, v7;
	v1 =	vld [tilespmem:s7+$0xB450];
	[tilespmem:s14+$0xB460] =	vst v3  }
0xaf: {  	s5 =	sadd.s32 $0x200, s5;
	v5 =	vmul.f32 $1.131370830e+01, v5;
	v3 =	vld [tilespmem:s7+$0xB460];
	[tilespmem:s14+$0xB470] =	vst v8;
	s14 =	smov.u32 s7  }
0xb0: {  	[tilespmem:s14+$0xB400] =	vst v6;
	v4 =	vmul.f32 $1.131370830e+01, v4;
	v6 =	vld [tilespmem:s14+$0xB470]  }
0xb1: {  	[tilespmem:s14+$0xB410] =	vst v5;
	v2 =	vmul.f32 $1.131370830e+01, v2  }
0xb2: {  	[tilespmem:s14+$0xB420] =	vst v4;
	v0 =	vmul.f32 $1.131370830e+01, v0  }
0xb3: {  	[tilespmem:s14+$0xB430] =	vst v2;
	v1 =	vmul.f32 $1.131370830e+01, v1  }
0xb4: {  	s5 =	sshll.u32 s6, $0xD;
	[tilespmem:s14+$0xB440] =	vst v0;
	v0 =	vmul.f32 $1.131370830e+01, v3  }
0xb5: {  	s5 =	sadd.s32 s8, s5;
	[tilespmem:s14+$0xB450] =	vst v1;
	v1 =	vmul.f32 $1.131370830e+01, v6  }
0xb6: {  	s5 =	sshrl.u32 s5, $0x3;
	[tilespmem:s14+$0xB460] =	vst v0  }
0xb7: {  	s5 =	sadd.s32 s3, s5;
	[tilespmem:s14+$0xB470] =	vst v1  }
0xb8: {  	[hbm4b:s5+s4] =	stream.linear.scatter [tilespmem:s20], [sflag:$0xF], $0x2000, $0x38;
	[tilespmem:$0x17400] =	vst v63  }
0xb9: {  	_ =	swait.ge [sflag:s25], $0x2000  }
0xba: {  	[sflag:s25] =	ssyncset.done $0x0  }
0xbb: {  	s5 =	simm.s32 @!p0 $0x12;
	[sflag:s25] =	ssyncadd.s32 $0xFFFFE000  }
0xbc: {  	s14 =	sadd.s32 $0x7, s13;
	_ =	swait.ge @!p0 [sflag:s5], $0x2000  }
0xbd: {  	s7 =	sshll.u32 s14, $0x7;
	[sflag:s5] =	ssyncset.done @!p0 $0x0  }
0xbe: {  	s6 =	simm.s32 $0x0;
	s7 =	sand.u32 $0x3FFFFF80, s7;
	[sflag:s5] =	ssyncadd.s32 @!p0 $0xFFFFE000  }
0xbf: {  	[tilespmem:s26], [sflag:$0x8] =	stream.indirect.gather [hbm4b:s2+s11], $0x80, s7, s11, $0xb8;
	[tilespmem:$0x17400] =	vst v63  }
0xc0: {  	v3 =	vld [tilespmem:s6+$0xD400]  }
0xc1: {  	v5 =	vld [tilespmem:s6+$0xD410]  }
0xc2: {  	v4 =	vld [tilespmem:s6+$0xD420]  }
0xc3: {  	v2 =	vld [tilespmem:s6+$0xD430]  }
0xc4: {  	v0 =	vld [tilespmem:s6+$0xD440]  }
0xc5: {  	v1 =	vld [tilespmem:s6+$0xD450];
	v6 =	vmul.f32 $1.131370830e+01, v3  }
0xc6: {  	s5 =	simm.s32 $0x200;
	v5 =	vmul.f32 $1.131370830e+01, v5;
	v3 =	vld [tilespmem:s6+$0xD460]  }
.LBB2_13:
0xc7: {  	s7 =	sshra.s32 s5, $0x2;
	p1 =	sne.s32 s5, $0x7E00;
	[tilespmem:s6+$0xD400] =	vst v6;
	v4 =	vmul.f32 $1.131370830e+01, v4;
	v6 =	vld [tilespmem:s6+$0xD470]  }
0xc8: {  	v7 =	vld [tilespmem:s7+$0xD400];
	[tilespmem:s6+$0xD410] =	vst v5;
	v2 =	vmul.f32 $1.131370830e+01, v2  }
0xc9: {  	v5 =	vld [tilespmem:s7+$0xD410];
	[tilespmem:s6+$0xD420] =	vst v4;
	v0 =	vmul.f32 $1.131370830e+01, v0  }
.Ltmp5:
0xca: {  	v4 =	vld [tilespmem:s7+$0xD420];
	[tilespmem:s6+$0xD430] =	vst v2;
	v1 =	vmul.f32 $1.131370830e+01, v1;
	(pc) =	sbr.rel @p1 .LBB2_13-.Ltmp5, $4  }
0xcb: {  	v2 =	vld [tilespmem:s7+$0xD430];
	[tilespmem:s6+$0xD440] =	vst v0;
	v3 =	vmul.f32 $1.131370830e+01, v3  }
0xcc: {  	v0 =	vld [tilespmem:s7+$0xD440];
	[tilespmem:s6+$0xD450] =	vst v1;
	v8 =	vmul.f32 $1.131370830e+01, v6  }
0xcd: {  	v6 =	vmul.f32 $1.131370830e+01, v7;
	v1 =	vld [tilespmem:s7+$0xD450];
	[tilespmem:s6+$0xD460] =	vst v3  }
0xce: {  	s5 =	sadd.s32 $0x200, s5;
	v5 =	vmul.f32 $1.131370830e+01, v5;
	v3 =	vld [tilespmem:s7+$0xD460];
	[tilespmem:s6+$0xD470] =	vst v8;
	s6 =	smov.u32 s7  }
0xcf: {  	[tilespmem:s6+$0xD400] =	vst v6;
	v4 =	vmul.f32 $1.131370830e+01, v4;
	v6 =	vld [tilespmem:s6+$0xD470]  }
0xd0: {  	[tilespmem:s6+$0xD410] =	vst v5;
	v2 =	vmul.f32 $1.131370830e+01, v2  }
0xd1: {  	[tilespmem:s6+$0xD420] =	vst v4;
	v0 =	vmul.f32 $1.131370830e+01, v0  }
0xd2: {  	[tilespmem:s6+$0xD430] =	vst v2;
	v1 =	vmul.f32 $1.131370830e+01, v1  }
0xd3: {  	s5 =	sshll.u32 s9, $0xD;
	[tilespmem:s6+$0xD440] =	vst v0;
	v0 =	vmul.f32 $1.131370830e+01, v3  }
0xd4: {  	s5 =	sadd.s32 s8, s5;
	[tilespmem:s6+$0xD450] =	vst v1;
	v1 =	vmul.f32 $1.131370830e+01, v6  }
0xd5: {  	s5 =	sshrl.u32 s5, $0x3;
	[tilespmem:s6+$0xD460] =	vst v0  }
0xd6: {  	s5 =	sadd.s32 s3, s5;
	[tilespmem:s6+$0xD470] =	vst v1  }
0xd7: {  	[hbm4b:s5+s4] =	stream.linear.scatter [tilespmem:s22], [sflag:$0x10], $0x2000, $0x38;
	[tilespmem:$0x17400] =	vst v63  }
0xd8: {  	_ =	swait.ge [sflag:s28], $0x2000  }
0xd9: {  	[sflag:s28] =	ssyncset.done $0x0  }
0xda: {  	s5 =	simm.s32 @!p0 $0x13;
	[sflag:s28] =	ssyncadd.s32 $0xFFFFE000  }
0xdb: {  	s6 =	sadd.s32 $0x8, s13;
	_ =	swait.ge @!p0 [sflag:s5], $0x2000  }
0xdc: {  	s7 =	sshll.u32 s6, $0x7;
	[sflag:s5] =	ssyncset.done @!p0 $0x0  }
0xdd: {  	s9 =	sand.u32 $0x3FFFFF80, s7;
	[sflag:s5] =	ssyncadd.s32 @!p0 $0xFFFFE000  }
0xde: {  	[tilespmem:s29], [sflag:$0x9] =	stream.indirect.gather [hbm4b:s2+s11], $0x80, s9, s11, $0xb8;
	[tilespmem:$0x17400] =	vst v63  }
0xdf: {  	s9 =	simm.s32 $0x0  }
0xe0: {  	v3 =	vld [tilespmem:s9+$0xF400]  }
0xe1: {  	v5 =	vld [tilespmem:s9+$0xF410]  }
0xe2: {  	v4 =	vld [tilespmem:s9+$0xF420]  }
0xe3: {  	v2 =	vld [tilespmem:s9+$0xF430]  }
0xe4: {  	v0 =	vld [tilespmem:s9+$0xF440]  }
0xe5: {  	v1 =	vld [tilespmem:s9+$0xF450];
	v6 =	vmul.f32 $1.131370830e+01, v3  }
0xe6: {  	s5 =	simm.s32 $0x200;
	v5 =	vmul.f32 $1.131370830e+01, v5;
	v3 =	vld [tilespmem:s9+$0xF460]  }
.LBB2_15:
0xe7: {  	s7 =	sshra.s32 s5, $0x2;
	p1 =	sne.s32 s5, $0x7E00;
	[tilespmem:s9+$0xF400] =	vst v6;
	v4 =	vmul.f32 $1.131370830e+01, v4;
	v6 =	vld [tilespmem:s9+$0xF470]  }
0xe8: {  	v7 =	vld [tilespmem:s7+$0xF400];
	[tilespmem:s9+$0xF410] =	vst v5;
	v2 =	vmul.f32 $1.131370830e+01, v2  }
0xe9: {  	v5 =	vld [tilespmem:s7+$0xF410];
	[tilespmem:s9+$0xF420] =	vst v4;
	v0 =	vmul.f32 $1.131370830e+01, v0  }
.Ltmp6:
0xea: {  	v4 =	vld [tilespmem:s7+$0xF420];
	[tilespmem:s9+$0xF430] =	vst v2;
	v1 =	vmul.f32 $1.131370830e+01, v1;
	(pc) =	sbr.rel @p1 .LBB2_15-.Ltmp6, $4  }
0xeb: {  	v2 =	vld [tilespmem:s7+$0xF430];
	[tilespmem:s9+$0xF440] =	vst v0;
	v3 =	vmul.f32 $1.131370830e+01, v3  }
0xec: {  	v0 =	vld [tilespmem:s7+$0xF440];
	[tilespmem:s9+$0xF450] =	vst v1;
	v8 =	vmul.f32 $1.131370830e+01, v6  }
0xed: {  	v6 =	vmul.f32 $1.131370830e+01, v7;
	v1 =	vld [tilespmem:s7+$0xF450];
	[tilespmem:s9+$0xF460] =	vst v3  }
0xee: {  	s5 =	sadd.s32 $0x200, s5;
	v5 =	vmul.f32 $1.131370830e+01, v5;
	v3 =	vld [tilespmem:s7+$0xF460];
	[tilespmem:s9+$0xF470] =	vst v8;
	s9 =	smov.u32 s7  }
0xef: {  	[tilespmem:s9+$0xF400] =	vst v6;
	v4 =	vmul.f32 $1.131370830e+01, v4;
	v6 =	vld [tilespmem:s9+$0xF470]  }
0xf0: {  	[tilespmem:s9+$0xF410] =	vst v5;
	v2 =	vmul.f32 $1.131370830e+01, v2  }
0xf1: {  	[tilespmem:s9+$0xF420] =	vst v4;
	v0 =	vmul.f32 $1.131370830e+01, v0  }
0xf2: {  	[tilespmem:s9+$0xF430] =	vst v2;
	v1 =	vmul.f32 $1.131370830e+01, v1  }
0xf3: {  	s5 =	sshll.u32 s12, $0xD;
	[tilespmem:s9+$0xF440] =	vst v0;
	v0 =	vmul.f32 $1.131370830e+01, v3  }
0xf4: {  	s5 =	sadd.s32 s8, s5;
	[tilespmem:s9+$0xF450] =	vst v1;
	v1 =	vmul.f32 $1.131370830e+01, v6  }
0xf5: {  	s5 =	sshrl.u32 s5, $0x3;
	[tilespmem:s9+$0xF460] =	vst v0  }
0xf6: {  	s5 =	sadd.s32 s3, s5;
	[tilespmem:s9+$0xF470] =	vst v1  }
0xf7: {  	[hbm4b:s5+s4] =	stream.linear.scatter [tilespmem:s24], [sflag:$0x11], $0x2000, $0x38;
	[tilespmem:$0x17400] =	vst v63  }
0xf8: {  	_ =	swait.ge [sflag:s30], $0x2000  }
0xf9: {  	[sflag:s30] =	ssyncset.done $0x0  }
0xfa: {  	s5 =	simm.s32 @!p0 $0x14;
	[sflag:s30] =	ssyncadd.s32 $0xFFFFE000  }
0xfb: {  	s13 =	sadd.s32 $0x9, s13;
	_ =	swait.ge @!p0 [sflag:s5], $0x2000  }
0xfc: {  	s7 =	sshll.u32 s13, $0x7;
	[sflag:s5] =	ssyncset.done @!p0 $0x0  }
0xfd: {  	s12 =	sand.u32 $0x3FFFFF80, s7;
	s9 =	simm.s32 $0x0;
	[sflag:s5] =	ssyncadd.s32 @!p0 $0xFFFFE000  }
0xfe: {  	[tilespmem:s31], [sflag:$0xA] =	stream.indirect.gather [hbm4b:s2+s11], $0x80, s12, s11, $0xb8;
	[tilespmem:$0x17400] =	vst v63  }
0xff: {  	v3 =	vld [tilespmem:s9+$0x11400]  }
0x100: {  	v5 =	vld [tilespmem:s9+$0x11410]  }
0x101: {  	v4 =	vld [tilespmem:s9+$0x11420]  }
0x102: {  	v2 =	vld [tilespmem:s9+$0x11430]  }
0x103: {  	v0 =	vld [tilespmem:s9+$0x11440]  }
0x104: {  	v1 =	vld [tilespmem:s9+$0x11450];
	v6 =	vmul.f32 $1.131370830e+01, v3  }
0x105: {  	s5 =	simm.s32 $0x200;
	v5 =	vmul.f32 $1.131370830e+01, v5;
	v3 =	vld [tilespmem:s9+$0x11460]  }
.LBB2_17:
0x106: {  	s7 =	sshra.s32 s5, $0x2;
	p0 =	sne.s32 s5, $0x7E00;
	[tilespmem:s9+$0x11400] =	vst v6;
	v4 =	vmul.f32 $1.131370830e+01, v4;
	v6 =	vld [tilespmem:s9+$0x11470]  }
0x107: {  	v7 =	vld [tilespmem:s7+$0x11400];
	[tilespmem:s9+$0x11410] =	vst v5;
	v2 =	vmul.f32 $1.131370830e+01, v2  }
0x108: {  	v5 =	vld [tilespmem:s7+$0x11410];
	[tilespmem:s9+$0x11420] =	vst v4;
	v0 =	vmul.f32 $1.131370830e+01, v0  }
.Ltmp7:
0x109: {  	v4 =	vld [tilespmem:s7+$0x11420];
	[tilespmem:s9+$0x11430] =	vst v2;
	v1 =	vmul.f32 $1.131370830e+01, v1;
	(pc) =	sbr.rel @p0 .LBB2_17-.Ltmp7, $4  }
0x10a: {  	v2 =	vld [tilespmem:s7+$0x11430];
	[tilespmem:s9+$0x11440] =	vst v0;
	v3 =	vmul.f32 $1.131370830e+01, v3  }
0x10b: {  	v0 =	vld [tilespmem:s7+$0x11440];
	[tilespmem:s9+$0x11450] =	vst v1;
	v8 =	vmul.f32 $1.131370830e+01, v6  }
0x10c: {  	v6 =	vmul.f32 $1.131370830e+01, v7;
	v1 =	vld [tilespmem:s7+$0x11450];
	[tilespmem:s9+$0x11460] =	vst v3  }
0x10d: {  	s5 =	sadd.s32 $0x200, s5;
	v5 =	vmul.f32 $1.131370830e+01, v5;
	v3 =	vld [tilespmem:s7+$0x11460];
	[tilespmem:s9+$0x11470] =	vst v8;
	s9 =	smov.u32 s7  }
0x10e: {  	[tilespmem:s9+$0x11400] =	vst v6;
	v4 =	vmul.f32 $1.131370830e+01, v4;
	v6 =	vld [tilespmem:s9+$0x11470]  }
0x10f: {  	[tilespmem:s9+$0x11410] =	vst v5;
	v2 =	vmul.f32 $1.131370830e+01, v2  }
0x110: {  	[tilespmem:s9+$0x11420] =	vst v4;
	v0 =	vmul.f32 $1.131370830e+01, v0  }
0x111: {  	[tilespmem:s9+$0x11430] =	vst v2;
	v1 =	vmul.f32 $1.131370830e+01, v1  }
0x112: {  	s5 =	sshll.u32 s14, $0xD;
	[tilespmem:s9+$0x11440] =	vst v0;
	v0 =	vmul.f32 $1.131370830e+01, v3  }
0x113: {  	s5 =	sadd.s32 s8, s5;
	[tilespmem:s9+$0x11450] =	vst v1;
	v1 =	vmul.f32 $1.131370830e+01, v6  }
0x114: {  	s5 =	sshrl.u32 s5, $0x3;
	[tilespmem:s9+$0x11460] =	vst v0  }
0x115: {  	s5 =	sadd.s32 s3, s5;
	[tilespmem:s9+$0x11470] =	vst v1  }
0x116: {  	[hbm4b:s5+s4] =	stream.linear.scatter [tilespmem:s26], [sflag:$0x12], $0x2000, $0x38;
	[tilespmem:$0x17400] =	vst v63  }
0x117: {  	_ =	swait.ge [sflag:s1], $0x2000  }
0x118: {  	p0 =	seq.s32 s10, $0x9;
	[sflag:s1] =	ssyncset.done $0x0  }
0x119: {  	s7 =	smul.u32 @!p0 $0x1400, s10;
	s5 =	simm.s32 @!p0 $0xB;
	[sflag:s1] =	ssyncadd.s32 $0xFFFFE000  }
0x11a: {  	_ =	swait.ge @!p0 [sflag:s5], $0x2000  }
0x11b: {  	s12 =	simm.s32 @!p0 $0x3400;
	s9 =	sshra.s32 @!p0 s7, $0x2;
	[sflag:s5] =	ssyncset.done @!p0 $0x0  }
0x11c: {  	s7 =	simm.s32 @!p0 $0x40;
	[sflag:s5] =	ssyncadd.s32 @!p0 $0xFFFFE000;
	s5 =	sadd.s32 @!p0 $0x500, s9  }
0x11d: {  	[tilespmem:s12], [sflag:$0x1] =	stream.indirect.gather @!p0 [hbm4b:s2+s7], $0x80, s5, s7, $0xb8;
	[tilespmem:$0x17400] =	vst v63  }
0x11e: {  	s12 =	simm.s32 $0x0  }
0x11f: {  	v3 =	vld [tilespmem:s12+$0x13400]  }
0x120: {  	v5 =	vld [tilespmem:s12+$0x13410]  }
0x121: {  	v4 =	vld [tilespmem:s12+$0x13420]  }
0x122: {  	v2 =	vld [tilespmem:s12+$0x13430]  }
0x123: {  	v0 =	vld [tilespmem:s12+$0x13440]  }
0x124: {  	v1 =	vld [tilespmem:s12+$0x13450];
	v6 =	vmul.f32 $1.131370830e+01, v3  }
0x125: {  	s5 =	simm.s32 $0x200;
	v5 =	vmul.f32 $1.131370830e+01, v5;
	v3 =	vld [tilespmem:s12+$0x13460]  }
.LBB2_19:
0x126: {  	s7 =	sshra.s32 s5, $0x2;
	p1 =	sne.s32 s5, $0x7E00;
	[tilespmem:s12+$0x13400] =	vst v6;
	v4 =	vmul.f32 $1.131370830e+01, v4;
	v6 =	vld [tilespmem:s12+$0x13470]  }
0x127: {  	v7 =	vld [tilespmem:s7+$0x13400];
	[tilespmem:s12+$0x13410] =	vst v5;
	v2 =	vmul.f32 $1.131370830e+01, v2  }
0x128: {  	v5 =	vld [tilespmem:s7+$0x13410];
	[tilespmem:s12+$0x13420] =	vst v4;
	v0 =	vmul.f32 $1.131370830e+01, v0  }
.Ltmp8:
0x129: {  	v4 =	vld [tilespmem:s7+$0x13420];
	[tilespmem:s12+$0x13430] =	vst v2;
	v1 =	vmul.f32 $1.131370830e+01, v1;
	(pc) =	sbr.rel @p1 .LBB2_19-.Ltmp8, $4  }
0x12a: {  	v2 =	vld [tilespmem:s7+$0x13430];
	[tilespmem:s12+$0x13440] =	vst v0;
	v3 =	vmul.f32 $1.131370830e+01, v3  }
0x12b: {  	v0 =	vld [tilespmem:s7+$0x13440];
	[tilespmem:s12+$0x13450] =	vst v1;
	v8 =	vmul.f32 $1.131370830e+01, v6  }
0x12c: {  	v6 =	vmul.f32 $1.131370830e+01, v7;
	v1 =	vld [tilespmem:s7+$0x13450];
	[tilespmem:s12+$0x13460] =	vst v3  }
0x12d: {  	s5 =	sadd.s32 $0x200, s5;
	v5 =	vmul.f32 $1.131370830e+01, v5;
	v3 =	vld [tilespmem:s7+$0x13460];
	[tilespmem:s12+$0x13470] =	vst v8;
	s12 =	smov.u32 s7  }
0x12e: {  	[tilespmem:s12+$0x13400] =	vst v6;
	v4 =	vmul.f32 $1.131370830e+01, v4;
	v6 =	vld [tilespmem:s12+$0x13470]  }
0x12f: {  	[tilespmem:s12+$0x13410] =	vst v5;
	v2 =	vmul.f32 $1.131370830e+01, v2  }
0x130: {  	[tilespmem:s12+$0x13420] =	vst v4;
	v0 =	vmul.f32 $1.131370830e+01, v0  }
0x131: {  	[tilespmem:s12+$0x13430] =	vst v2;
	v1 =	vmul.f32 $1.131370830e+01, v1  }
0x132: {  	s5 =	sshll.u32 s6, $0xD;
	[tilespmem:s12+$0x13440] =	vst v0;
	v0 =	vmul.f32 $1.131370830e+01, v3  }
0x133: {  	s5 =	sadd.s32 s8, s5;
	[tilespmem:s12+$0x13450] =	vst v1;
	v1 =	vmul.f32 $1.131370830e+01, v6  }
0x134: {  	s5 =	sshrl.u32 s5, $0x3;
	[tilespmem:s12+$0x13460] =	vst v0  }
0x135: {  	s5 =	sadd.s32 s3, s5;
	[tilespmem:s12+$0x13470] =	vst v1  }
0x136: {  	[hbm4b:s5+s4] =	stream.linear.scatter [tilespmem:s29], [sflag:$0x13], $0x2000, $0x38;
	[tilespmem:$0x17400] =	vst v63  }
0x137: {  	_ =	swait.ge [sflag:s0], $0x2000  }
0x138: {  	[sflag:s0] =	ssyncset.done $0x0  }
0x139: {  	s5 =	simm.s32 @!p0 $0xC;
	[sflag:s0] =	ssyncadd.s32 $0xFFFFE000  }
0x13a: {  	_ =	swait.ge @!p0 [sflag:s5], $0x2000  }
0x13b: {  	s6 =	simm.s32 @!p0 $0x40;
	[sflag:s5] =	ssyncset.done @!p0 $0x0  }
0x13c: {  	s7 =	simm.s32 @!p0 $0x5400;
	[sflag:s5] =	ssyncadd.s32 @!p0 $0xFFFFE000;
	s5 =	sadd.s32 @!p0 $0x580, s9  }
0x13d: {  	[tilespmem:s7], [sflag:$0x2] =	stream.indirect.gather @!p0 [hbm4b:s2+s6], $0x80, s5, s6, $0xb8;
	[tilespmem:$0x17400] =	vst v63  }
0x13e: {  	s6 =	simm.s32 $0x0  }
0x13f: {  	v3 =	vld [tilespmem:s6+$0x15400]  }
0x140: {  	v5 =	vld [tilespmem:s6+$0x15410]  }
0x141: {  	v4 =	vld [tilespmem:s6+$0x15420]  }
0x142: {  	v2 =	vld [tilespmem:s6+$0x15430]  }
0x143: {  	v0 =	vld [tilespmem:s6+$0x15440]  }
0x144: {  	v1 =	vld [tilespmem:s6+$0x15450];
	v6 =	vmul.f32 $1.131370830e+01, v3  }
0x145: {  	s5 =	simm.s32 $0x200;
	v5 =	vmul.f32 $1.131370830e+01, v5;
	v3 =	vld [tilespmem:s6+$0x15460]  }
.LBB2_21:
0x146: {  	s7 =	sshra.s32 s5, $0x2;
	p0 =	sne.s32 s5, $0x7E00;
	[tilespmem:s6+$0x15400] =	vst v6;
	v4 =	vmul.f32 $1.131370830e+01, v4;
	v6 =	vld [tilespmem:s6+$0x15470]  }
0x147: {  	v7 =	vld [tilespmem:s7+$0x15400];
	[tilespmem:s6+$0x15410] =	vst v5;
	v2 =	vmul.f32 $1.131370830e+01, v2  }
0x148: {  	v5 =	vld [tilespmem:s7+$0x15410];
	[tilespmem:s6+$0x15420] =	vst v4;
	v0 =	vmul.f32 $1.131370830e+01, v0  }
.Ltmp9:
0x149: {  	v4 =	vld [tilespmem:s7+$0x15420];
	[tilespmem:s6+$0x15430] =	vst v2;
	v1 =	vmul.f32 $1.131370830e+01, v1;
	(pc) =	sbr.rel @p0 .LBB2_21-.Ltmp9, $4  }
0x14a: {  	v2 =	vld [tilespmem:s7+$0x15430];
	[tilespmem:s6+$0x15440] =	vst v0;
	v3 =	vmul.f32 $1.131370830e+01, v3  }
0x14b: {  	v0 =	vld [tilespmem:s7+$0x15440];
	[tilespmem:s6+$0x15450] =	vst v1;
	v8 =	vmul.f32 $1.131370830e+01, v6  }
0x14c: {  	v6 =	vmul.f32 $1.131370830e+01, v7;
	v1 =	vld [tilespmem:s7+$0x15450];
	[tilespmem:s6+$0x15460] =	vst v3  }
0x14d: {  	s5 =	sadd.s32 $0x200, s5;
	v5 =	vmul.f32 $1.131370830e+01, v5;
	v3 =	vld [tilespmem:s7+$0x15460];
	[tilespmem:s6+$0x15470] =	vst v8;
	s6 =	smov.u32 s7  }
0x14e: {  	[tilespmem:s6+$0x15400] =	vst v6;
	v4 =	vmul.f32 $1.131370830e+01, v4;
	v61 =	vld [tilespmem:s6+$0x15470]  }
0x14f: {  	[tilespmem:s6+$0x15410] =	vst v5;
	v2 =	vmul.f32 $1.131370830e+01, v2  }
0x150: {  	s10 =	sadd.s32 $0x1, s10;
	[tilespmem:s6+$0x15420] =	vst v4;
	v0 =	vmul.f32 $1.131370830e+01, v0  }
0x151: {  	p0 =	sne.s32 s10, $0xA;
	[tilespmem:s6+$0x15430] =	vst v2;
	v1 =	vmul.f32 $1.131370830e+01, v1  }
.Ltmp10:
0x152: {  	s5 =	sshll.u32 s13, $0xD;
	[tilespmem:s6+$0x15440] =	vst v0;
	v62 =	vmul.f32 $1.131370830e+01, v3;
	(pc) =	sbr.rel @p0 .LBB2_2-.Ltmp10, $4  }
0x153: {  	s5 =	sadd.s32 s8, s5;
	[tilespmem:s6+$0x15450] =	vst v1;
	v63 =	vmul.f32 $1.131370830e+01, v61  }
0x154: {  	s5 =	sshrl.u32 s5, $0x3;
	[tilespmem:s6+$0x15460] =	vst v62  }
0x155: {  	s5 =	sadd.s32 s3, s5;
	[tilespmem:s6+$0x15470] =	vst v63  }
0x156: {  	[hbm4b:s5+s4] =	stream.linear.scatter [tilespmem:s31], [sflag:$0x14], $0x2000, $0x38;
	[tilespmem:$0x17400] =	vst v63  }
0x157: {  	s5 =	simm.s32 $0xB  }
0x158: {  	_ =	swait.ge [sflag:s5], $0x2000  }
0x159: {  	[sflag:s5] =	ssyncset.done $0x0  }
0x15a: {  	s13 =	simm.s32 $0xC;
	[sflag:s5] =	ssyncadd.s32 $0xFFFFE000  }
0x15b: {  	_ =	swait.ge [sflag:s13], $0x2000  }
0x15c: {  	[sflag:s13] =	ssyncset.done $0x0  }
0x15d: {  	s14 =	simm.s32 $0xD;
	[sflag:s13] =	ssyncadd.s32 $0xFFFFE000  }
0x15e: {  	_ =	swait.ge [sflag:s14], $0x2000  }
0x15f: {  	[sflag:s14] =	ssyncset.done $0x0  }
0x160: {  	s6 =	simm.s32 $0xE;
	[sflag:s14] =	ssyncadd.s32 $0xFFFFE000  }
0x161: {  	_ =	swait.ge [sflag:s6], $0x2000  }
0x162: {  	[sflag:s6] =	ssyncset.done $0x0  }
0x163: {  	s7 =	simm.s32 $0xF;
	[sflag:s6] =	ssyncadd.s32 $0xFFFFE000  }
0x164: {  	_ =	swait.ge [sflag:s7], $0x2000  }
0x165: {  	[sflag:s7] =	ssyncset.done $0x0  }
0x166: {  	s9 =	simm.s32 $0x10;
	[sflag:s7] =	ssyncadd.s32 $0xFFFFE000  }
0x167: {  	_ =	swait.ge [sflag:s9], $0x2000  }
0x168: {  	[sflag:s9] =	ssyncset.done $0x0  }
0x169: {  	s10 =	simm.s32 $0x11;
	[sflag:s9] =	ssyncadd.s32 $0xFFFFE000  }
0x16a: {  	_ =	swait.ge [sflag:s10], $0x2000  }
0x16b: {  	[sflag:s10] =	ssyncset.done $0x0  }
0x16c: {  	s12 =	simm.s32 $0x12;
	[sflag:s10] =	ssyncadd.s32 $0xFFFFE000  }
0x16d: {  	_ =	swait.ge [sflag:s12], $0x2000  }
0x16e: {  	[sflag:s12] =	ssyncset.done $0x0  }
0x16f: {  	s13 =	simm.s32 $0x13;
	[sflag:s12] =	ssyncadd.s32 $0xFFFFE000  }
0x170: {  	_ =	swait.ge [sflag:s13], $0x2000  }
0x171: {  	[sflag:s13] =	ssyncset.done $0x0  }
0x172: {  	s6 =	simm.s32 $0x14;
	[sflag:s13] =	ssyncadd.s32 $0xFFFFE000  }
0x173: {  	_ =	swait.ge [sflag:s6], $0x2000  }
0x174: {  	s7 =	rddreg [dreg:$0x7]  }
0x175: {  	s14 =	rddreg [dreg:$0x6];
	s7 =	sadd.s32 $0x1, s7  }
0x176: {  	p0 =	sne.s32 s7, s14  }
.Ltmp11:
0x177: {  	_ = 	snop;
	(pc) =	sbr.rel @p0 .LBB2_1-.Ltmp11, $3  }
0x178: {  	_ =	sdelay $0x1  }
0x179: {  	[sflag:s6] =	ssyncset.done $0x0  }
0x17a: {  	[sflag:s6] =	ssyncadd.s32 $0xFFFFE000  }
0x17b: {  	_ =	sfence.sel $0x180000  }
0x17c: {  	[bflag:$0x0] =	sbarrier.arrive $0xFFFF  }
0x17d: {  	_ =	strace $0x90000047  }
0x17e: {  	s0 =	stileid.u32;
	[bflag:$0x2] =	sbarrier.arrive $0xFFFF  }
0x17f: {  	p0 =	sne.s32 s0, $0x0;
	s0 =	rddreg [dreg:$0x3]  }
0x180: {  	s0 =	sadd.s32 @!p0 $0x100000, s0  }
0x181: {  	[sflag:s0] =	ssyncadd.tile.s32 @!p0 $0x1;
	_ =	shalt  }
.Lfunc_end2:
_tile_overlayer_lowered:
.L_overlay_start_2:
0x182: {  	(tag) =	ssettag $0x2  }
0x183: {  	s0 =	rddreg [dreg:$0x0];
	s2 =	stileid.u32  }
0x184: {  	s1 =	rddreg [dreg:$0x1];
	p0 =	sne.s32 s2, $0x0  }
0x185: {  	s3 =	rddreg [dreg:$0x2];
	[bflag:$0x3] =	sbarrier.arrive $0xFFFF;
	s2 =	simm.s32 @!p0 $0x1C15  }
0x186: {  	[timem:s3], [sflag:s2] =	dma.local @!p0 [hbm:s0], s1  }
0x187: {  	s0 =	simm.s32 @!p0 $0x15  }
0x188: {  	_ =	swait.ge @!p0 [sflag:s0], s1  }
0x189: {  	s1 =	ssub.s32 @!p0 $0x0, s1;
	[sflag:s0] =	ssyncset.done @!p0 $0x0  }
0x18a: {  	[sflag:s0] =	ssyncadd.s32 @!p0 s1  }
0x18b: {  	[bflag:$0x3] =	sbarrier.arrive $0xFFFF  }
0x18c: {  	_ =	shalt  }

</sc_bundles>
